<compile_context>
chip_gen: v7x
topology: tpu7x:2x2x1
jax: 0.10.2.dev20260603
libtpu: 0.0.44.dev20260713+nightly
codegen_flags: <defaults>
</compile_context>

<pallas_src>
import functools

import jax
import jax.numpy as jnp
from jax import lax
from jax.experimental import pallas as pl
from jax.experimental.pallas import tpu as pltpu
from jax.experimental.pallas import tpu_sc as plsc

_VOCAB = 119
_VPAD = 128
_D = 512
_BATCH, _SEQ = 4096, 50
_SEQ_SC = 48
_SEQ_TC = _SEQ - _SEQ_SC

_NC, _NS = 2, 16
_NW = _NC * _NS
_B_PER_W = _BATCH // _NW

_FIX_GRP = 64


def _proj_body(t1, w1, b1, t2, w2, b2, t3, w3, b3, o1, o2, o3):
    o1[...] = jnp.dot(t1[...], w1[...], preferred_element_type=jnp.float32) + b1[...]
    o2[...] = jnp.dot(t2[...], w2[...], preferred_element_type=jnp.float32) + b2[...]
    o3[...] = jnp.dot(t3[...], w3[...], preferred_element_type=jnp.float32) + b3[...]


def _project_tables(t1, w1, b1, t2, w2, b2, t3, w3, b3):
    out = [jax.ShapeDtypeStruct((_VOCAB, _D), jnp.float32)] * 3
    return pl.pallas_call(_proj_body, out_shape=out)(
        t1, w1, b1.reshape(1, _D), t2, w2, b2.reshape(1, _D),
        t3, w3, b3.reshape(1, _D))


_mesh = plsc.VectorSubcoreMesh(core_axis_name="c", subcore_axis_name="s")


@functools.partial(
    pl.kernel,
    mesh=_mesh,
    out_type=[jax.ShapeDtypeStruct((_BATCH, _SEQ, _D), jnp.float32)] * 3,
    scratch_types=[
        pltpu.VMEM((_B_PER_W, _SEQ_SC), jnp.int32),
        pltpu.VMEM((_SEQ_SC, _D), jnp.float32),
        pltpu.VMEM((_SEQ_SC, _D), jnp.float32),
        pltpu.VMEM((_SEQ_SC, _D), jnp.float32),
        pltpu.SemaphoreType.DMA,
        pltpu.SemaphoreType.DMA,
    ],
    compiler_params=pltpu.CompilerParams(use_tc_tiling_on_sc=True),
)
def _gather_sc(p1, p2, p3, idx_hbm, o1, o2, o3,
               idx_v, r0, r1, r2, gsem, wsem):
    wid = lax.axis_index("s") * _NC + lax.axis_index("c")
    tbls = (p1, p2, p3)
    outs = (o1, o2, o3)
    bufs = (r0, r1, r2)

    b0 = wid * _B_PER_W
    pltpu.sync_copy(idx_hbm.at[pl.ds(b0, _B_PER_W)], idx_v)

    def _wait_gather(t):
        pltpu.make_async_copy(
            tbls[0].at[pl.ds(0, _SEQ_SC)], bufs[t], gsem).wait()

    def _drain_write(t):
        pltpu.make_async_copy(
            bufs[t], outs[0].at[0, pl.ds(0, _SEQ_SC)], wsem).wait()

    def batch_body(b, carry):
        for t in range(3):
            @pl.when(b > 0)
            def _ring_guard():
                _drain_write(t)

            pltpu.async_copy(tbls[t].at[idx_v.at[b]], bufs[t], gsem)
            if t > 0:
                _wait_gather(t - 1)
                pltpu.async_copy(
                    bufs[t - 1], outs[t - 1].at[b0 + b, pl.ds(0, _SEQ_SC)],
                    wsem)
            else:
                @pl.when(b > 0)
                def _prev_iter():
                    _wait_gather(2)
                    pltpu.async_copy(
                        bufs[2], outs[2].at[b0 + b - 1, pl.ds(0, _SEQ_SC)],
                        wsem)
        return carry

    lax.fori_loop(0, _B_PER_W, batch_body, 0)
    _wait_gather(2)
    pltpu.async_copy(
        bufs[2], outs[2].at[b0 + _B_PER_W - 1, pl.ds(0, _SEQ_SC)], wsem)
    for t in range(3):
        _drain_write(t)


def _fix_body(zb, p1, p2, p3, o1, o2, o3):
    zcol = zb[0].reshape(_FIX_GRP * _SEQ_TC, 1)
    iota_v = lax.broadcasted_iota(jnp.int32, (_FIX_GRP * _SEQ_TC, _VPAD), 1)
    oh = (zcol == iota_v).astype(jnp.float32)
    for p, o in ((p1, o1), (p2, o2), (p3, o3)):
        r = jnp.dot(oh, p[...], preferred_element_type=jnp.float32)
        o[...] = r.reshape(_FIX_GRP, _SEQ_TC, _D)


def _fix_tails(zfix, p1, p2, p3):
    ngrp = _BATCH // _FIX_GRP
    z3 = zfix.reshape(ngrp, 1, _FIX_GRP * _SEQ_TC)
    pp = [jnp.pad(p, ((0, _VPAD - _VOCAB), (0, 0))) for p in (p1, p2, p3)]
    out_spec = pl.BlockSpec((_FIX_GRP, _SEQ_TC, _D), lambda i: (i, 0, 0))
    return pl.pallas_call(
        _fix_body,
        grid=(ngrp,),
        in_specs=[
            pl.BlockSpec((1, 1, _FIX_GRP * _SEQ_TC), lambda i: (i, 0, 0)),
            pl.BlockSpec((_VPAD, _D), lambda i: (0, 0)),
            pl.BlockSpec((_VPAD, _D), lambda i: (0, 0)),
            pl.BlockSpec((_VPAD, _D), lambda i: (0, 0)),
        ],
        out_specs=[out_spec] * 3,
        out_shape=[jax.ShapeDtypeStruct((_BATCH, _SEQ_TC, _D), jnp.float32)] * 3,
    )(z3, pp[0], pp[1], pp[2])


def kernel(Z, table_mat2vec, table_magpie, table_oliynyk,
           W_mat2vec, b_mat2vec, W_magpie, b_magpie, W_oliynyk, b_oliynyk):
    p1, p2, p3 = _project_tables(
        table_mat2vec, W_mat2vec, b_mat2vec,
        table_magpie, W_magpie, b_magpie,
        table_oliynyk, W_oliynyk, b_oliynyk)
    o1, o2, o3 = _gather_sc(p1, p2, p3, Z[:, :_SEQ_SC])
    t1, t2, t3 = _fix_tails(Z[:, _SEQ_SC:], p1, p2, p3)
    return tuple(
        lax.dynamic_update_slice(o, t, (0, _SEQ_SC, 0))
        for o, t in ((o1, t1), (o2, t2), (o3, t3)))

# --- scband reference (transcript-rebuilt; emitter-appended) ---
"""Pipeline reference for scband-multi-descriptor-embedder-42262478192785 (READ-ONLY COPY).

The authoritative reference and input builder live on the scoring server;
editing this copy changes nothing except your own understanding.
"""

import jax, jax.numpy as jnp
import numpy as np

VOCAB = 119  # 118 elements + 1 zero pad row
FEATS = {"mat2vec": 200, "magpie": 22, "oliynyk": 44}
D_MODEL = 512
BATCH, SEQ = 4096, 50


def setup_inputs(seed: int = 0) -> dict:
    key = jax.random.key(seed)
    ks = jax.random.split(key, 12)
    inp = {}
    inp["Z"] = jax.random.randint(ks[0], (BATCH, SEQ), 0, VOCAB, dtype=jnp.int32)
    # Embedding tables (row 0 is the pad row, zeros, but trainable overall -> just random here)
    inp["table_mat2vec"] = jax.random.normal(ks[1], (VOCAB, FEATS["mat2vec"]), dtype=jnp.float32)
    inp["table_magpie"] = jax.random.normal(ks[2], (VOCAB, FEATS["magpie"]), dtype=jnp.float32)
    inp["table_oliynyk"] = jax.random.normal(ks[3], (VOCAB, FEATS["oliynyk"]), dtype=jnp.float32)
    # Per-table linear projections to d_model
    inp["W_mat2vec"] = jax.random.normal(ks[4], (FEATS["mat2vec"], D_MODEL), dtype=jnp.float32) / np.sqrt(FEATS["mat2vec"])
    inp["b_mat2vec"] = jnp.zeros((D_MODEL,), dtype=jnp.float32)
    inp["W_magpie"] = jax.random.normal(ks[5], (FEATS["magpie"], D_MODEL), dtype=jnp.float32) / np.sqrt(FEATS["magpie"])
    inp["b_magpie"] = jnp.zeros((D_MODEL,), dtype=jnp.float32)
    inp["W_oliynyk"] = jax.random.normal(ks[6], (FEATS["oliynyk"], D_MODEL), dtype=jnp.float32) / np.sqrt(FEATS["oliynyk"])
    inp["b_oliynyk"] = jnp.zeros((D_MODEL,), dtype=jnp.float32)
    return inp


def reference(Z, table_mat2vec, table_magpie, table_oliynyk,
              W_mat2vec, b_mat2vec, W_magpie, b_magpie, W_oliynyk, b_oliynyk):
    views = []
    for tbl, W, b in [(table_mat2vec, W_mat2vec, b_mat2vec),
                      (table_magpie, W_magpie, b_magpie),
                      (table_oliynyk, W_oliynyk, b_oliynyk)]:
        emb = jnp.take(tbl, Z, axis=0)          # [B, S, feat] embedding gather
        views.append(emb @ W + b)                # [B, S, d_model]
    return tuple(views)

if __name__ == "__main__":
    import jax
    _d = setup_inputs()
    print(jax.jit(kernel)(*tuple(_d.values())))

</pallas_src>

<mosaic_0001>
#map = affine_map<(d0, d1) -> (0, 0)>
#map1 = affine_map<(d0, d1) -> (0, 0, 0)>
module attributes {stable_mosaic.version = 14 : i64} {
  func.func @_gather_sc(%arg0: i32, %arg1: i32, %arg2: memref<119x512xf32, #tpu.memory_space<hbm>>, %arg3: memref<119x512xf32, #tpu.memory_space<hbm>>, %arg4: memref<119x512xf32, #tpu.memory_space<hbm>>, %arg5: memref<4096x48xi32, #tpu.memory_space<hbm>>, %arg6: memref<4096x50x512xf32, #tpu.memory_space<hbm>>, %arg7: memref<4096x50x512xf32, #tpu.memory_space<hbm>>, %arg8: memref<4096x50x512xf32, #tpu.memory_space<hbm>>, %arg9: memref<128x48xi32, #tpu.memory_space<vmem>>, %arg10: memref<48x512xf32, #tpu.memory_space<vmem>>, %arg11: memref<48x512xf32, #tpu.memory_space<vmem>>, %arg12: memref<48x512xf32, #tpu.memory_space<vmem>>, %arg13: memref<!tpu.dma_semaphore, #tpu.memory_space<semaphore_mem>>, %arg14: memref<!tpu.dma_semaphore, #tpu.memory_space<semaphore_mem>>) attributes {dimension_semantics = [#tpu.dimension_semantics<core_parallel>, #tpu.dimension_semantics<subcore_parallel>], iteration_bounds = array<i64: 2, 16>, scalar_prefetch = 0 : i64, scratch_operands = 6 : i64, tpu.core_type = #tpu.core_type<sc_vector_subcore>, window_params = [{transform_indices = #map}, {transform_indices = #map}, {transform_indices = #map}, {transform_indices = #map}, {transform_indices = #map1}, {transform_indices = #map1}, {transform_indices = #map1}]} {
    %mul3A = arith.constant 2 : i32
    %mul3A_0 = arith.muli %arg1, %mul3A : i32
    %add3A = arith.addi %mul3A_0, %arg0 : i32
    %mul3A_1 = arith.constant 128 : i32
    %mul3A_2 = arith.muli %add3A, %mul3A_1 : i32
    "tpu.region"() ({
      %run_scoped3A = tpu.sem_alloc : memref<!tpu.dma_semaphore, #tpu.memory_space<semaphore_mem>>
      %dma_start3A_50 = arith.constant 0 : i32
      %dma_start3A_51 = tpu.memref_slice %arg5[%mul3A_2, %dma_start3A_50] : memref<4096x48xi32, #tpu.memory_space<hbm>> -> memref<128x48xi32, #tpu.memory_space<hbm>>
      %dma_start3A_52 = arith.constant 0 : i32
      %dma_start3A_53 = tpu.memref_slice %arg5[%mul3A_2, %dma_start3A_52] : memref<4096x48xi32, #tpu.memory_space<hbm>> -> memref<128x48xi32, #tpu.memory_space<hbm>>
      tpu.enqueue_dma source(%dma_start3A_53 : memref<128x48xi32, #tpu.memory_space<hbm>>) target(%arg9 : memref<128x48xi32, #tpu.memory_space<vmem>>) target_semaphore(%run_scoped3A : memref<!tpu.dma_semaphore, #tpu.memory_space<semaphore_mem>>)
      %dma_wait3A_54 = arith.constant 0 : i32
      %dma_wait3A_55 = tpu.memref_slice %arg5[%mul3A_2, %dma_wait3A_54] : memref<4096x48xi32, #tpu.memory_space<hbm>> -> memref<128x48xi32, #tpu.memory_space<hbm>>
      %dma_wait3A_56 = arith.constant 0 : i32
      %dma_wait3A_57 = tpu.memref_slice %arg5[%mul3A_2, %dma_wait3A_56] : memref<4096x48xi32, #tpu.memory_space<hbm>> -> memref<128x48xi32, #tpu.memory_space<hbm>>
      tpu.wait_dma2 semaphore(%run_scoped3A : memref<!tpu.dma_semaphore, #tpu.memory_space<semaphore_mem>>) src(%dma_wait3A_57 : memref<128x48xi32, #tpu.memory_space<hbm>>) dst(%arg9 : memref<128x48xi32, #tpu.memory_space<vmem>>)
      tpu.yield
    }) : () -> ()
    %scan3A = arith.constant 0 : i32
    %scan3A_3 = arith.constant 0 : i32
    %scan3A_4 = arith.constant 128 : i32
    %scan3A_5 = arith.addi %scan3A_3, %scan3A_4 : i32
    %scan3A_6 = arith.constant 1 : i32
    scf.for %scan3A_50 = %scan3A_3 to %scan3A_5 step %scan3A_6  : i32 {
      %gt3A = arith.constant 0 : i32
      %gt3A_51 = arith.cmpi sgt, %scan3A_50, %gt3A : i32
      %convert_element_type3A = arith.extui %gt3A_51 : i1 to i32
      %cond3A = arith.constant 0 : i32
      %cond3A_52 = arith.cmpi ne, %convert_element_type3A, %cond3A : i32
      scf.if %cond3A_52 {
        %dma_wait3A_116 = arith.constant 0 : i32
        %dma_wait3A_117 = arith.constant 0 : i32
        %dma_wait3A_118 = arith.constant 0 : i32
        %dma_wait3A_119 = tpu.memref_slice %arg6[%dma_wait3A_116, %dma_wait3A_117, %dma_wait3A_118] : memref<4096x50x512xf32, #tpu.memory_space<hbm>> -> memref<1x48x512xf32, #tpu.memory_space<hbm>>
        %dma_wait3A_120 = tpu.memref_squeeze %dma_wait3A_119 : memref<1x48x512xf32, #tpu.memory_space<hbm>> -> memref<48x512xf32, #tpu.memory_space<hbm>>
        %dma_wait3A_121 = arith.constant 0 : i32
        %dma_wait3A_122 = arith.constant 0 : i32
        %dma_wait3A_123 = tpu.memref_slice %arg6[%dma_wait3A_116, %dma_wait3A_121, %dma_wait3A_122] : memref<4096x50x512xf32, #tpu.memory_space<hbm>> -> memref<1x48x512xf32, #tpu.memory_space<hbm>>
        %dma_wait3A_124 = tpu.memref_squeeze %dma_wait3A_123 : memref<1x48x512xf32, #tpu.memory_space<hbm>> -> memref<48x512xf32, #tpu.memory_space<hbm>>
        tpu.wait_dma2 semaphore(%arg14 : memref<!tpu.dma_semaphore, #tpu.memory_space<semaphore_mem>>) src(%arg10 : memref<48x512xf32, #tpu.memory_space<vmem>>) dst(%dma_wait3A_124 : memref<48x512xf32, #tpu.memory_space<hbm>>)
      } else {
      }
      %dma_start3A_53 = arith.constant 0 : i32
      %dma_start3A_54 = tpu.memref_slice %arg9[%scan3A_50, %dma_start3A_53] : memref<128x48xi32, #tpu.memory_space<vmem>> -> memref<1x48xi32, #tpu.memory_space<vmem>>
      %dma_start3A_55 = tpu.memref_squeeze %dma_start3A_54 : memref<1x48xi32, #tpu.memory_space<vmem>> -> memref<48xi32, #tpu.memory_space<vmem>>
      %dma_start3A_56 = arith.constant 0 : i32
      %dma_start3A_57 = arith.constant 0 : i32
      %dma_start3A_58 = tpu.memref_slice %arg2[%dma_start3A_56, %dma_start3A_57] : memref<119x512xf32, #tpu.memory_space<hbm>> -> memref<119x512xf32, #tpu.memory_space<hbm>>
      tpu.enqueue_indirect_dma source(%dma_start3A_58 : memref<119x512xf32, #tpu.memory_space<hbm>>) target(%arg10 : memref<48x512xf32, #tpu.memory_space<vmem>>) offsets(%dma_start3A_55 : memref<48xi32, #tpu.memory_space<vmem>>) semaphore(%arg13 : memref<!tpu.dma_semaphore, #tpu.memory_space<semaphore_mem>>)
      %gt3A_59 = arith.constant 0 : i32
      %gt3A_60 = arith.cmpi sgt, %scan3A_50, %gt3A_59 : i32
      %convert_element_type3A_61 = arith.extui %gt3A_60 : i1 to i32
      %cond3A_62 = arith.constant 0 : i32
      %cond3A_63 = arith.cmpi ne, %convert_element_type3A_61, %cond3A_62 : i32
      scf.if %cond3A_63 {
        %dma_wait3A_116 = arith.constant 0 : i32
        %dma_wait3A_117 = arith.constant 0 : i32
        %dma_wait3A_118 = tpu.memref_slice %arg2[%dma_wait3A_116, %dma_wait3A_117] : memref<119x512xf32, #tpu.memory_space<hbm>> -> memref<48x512xf32, #tpu.memory_space<hbm>>
        %dma_wait3A_119 = arith.constant 0 : i32
        %dma_wait3A_120 = arith.constant 0 : i32
        %dma_wait3A_121 = tpu.memref_slice %arg2[%dma_wait3A_119, %dma_wait3A_120] : memref<119x512xf32, #tpu.memory_space<hbm>> -> memref<48x512xf32, #tpu.memory_space<hbm>>
        tpu.wait_dma2 semaphore(%arg13 : memref<!tpu.dma_semaphore, #tpu.memory_space<semaphore_mem>>) src(%dma_wait3A_121 : memref<48x512xf32, #tpu.memory_space<hbm>>) dst(%arg12 : memref<48x512xf32, #tpu.memory_space<vmem>>)
        %add3A_122 = arith.addi %mul3A_2, %scan3A_50 : i32
        %sub3A_123 = arith.constant 1 : i32
        %sub3A_124 = arith.subi %add3A_122, %sub3A_123 : i32
        %dma_start3A_125 = arith.constant 0 : i32
        %dma_start3A_126 = arith.constant 0 : i32
        %dma_start3A_127 = tpu.memref_slice %arg8[%sub3A_124, %dma_start3A_125, %dma_start3A_126] : memref<4096x50x512xf32, #tpu.memory_space<hbm>> -> memref<1x48x512xf32, #tpu.memory_space<hbm>>
        %dma_start3A_128 = tpu.memref_squeeze %dma_start3A_127 : memref<1x48x512xf32, #tpu.memory_space<hbm>> -> memref<48x512xf32, #tpu.memory_space<hbm>>
        %dma_start3A_129 = arith.constant 0 : i32
        %dma_start3A_130 = arith.constant 0 : i32
        %dma_start3A_131 = tpu.memref_slice %arg8[%sub3A_124, %dma_start3A_129, %dma_start3A_130] : memref<4096x50x512xf32, #tpu.memory_space<hbm>> -> memref<1x48x512xf32, #tpu.memory_space<hbm>>
        %dma_start3A_132 = tpu.memref_squeeze %dma_start3A_131 : memref<1x48x512xf32, #tpu.memory_space<hbm>> -> memref<48x512xf32, #tpu.memory_space<hbm>>
        tpu.enqueue_dma source(%arg12 : memref<48x512xf32, #tpu.memory_space<vmem>>) target(%dma_start3A_132 : memref<48x512xf32, #tpu.memory_space<hbm>>) target_semaphore(%arg14 : memref<!tpu.dma_semaphore, #tpu.memory_space<semaphore_mem>>)
      } else {
      }
      %gt3A_64 = arith.constant 0 : i32
      %gt3A_65 = arith.cmpi sgt, %scan3A_50, %gt3A_64 : i32
      %convert_element_type3A_66 = arith.extui %gt3A_65 : i1 to i32
      %cond3A_67 = arith.constant 0 : i32
      %cond3A_68 = arith.cmpi ne, %convert_element_type3A_66, %cond3A_67 : i32
      scf.if %cond3A_68 {
        %dma_wait3A_116 = arith.constant 0 : i32
        %dma_wait3A_117 = arith.constant 0 : i32
        %dma_wait3A_118 = arith.constant 0 : i32
        %dma_wait3A_119 = tpu.memref_slice %arg6[%dma_wait3A_116, %dma_wait3A_117, %dma_wait3A_118] : memref<4096x50x512xf32, #tpu.memory_space<hbm>> -> memref<1x48x512xf32, #tpu.memory_space<hbm>>
        %dma_wait3A_120 = tpu.memref_squeeze %dma_wait3A_119 : memref<1x48x512xf32, #tpu.memory_space<hbm>> -> memref<48x512xf32, #tpu.memory_space<hbm>>
        %dma_wait3A_121 = arith.constant 0 : i32
        %dma_wait3A_122 = arith.constant 0 : i32
        %dma_wait3A_123 = tpu.memref_slice %arg6[%dma_wait3A_116, %dma_wait3A_121, %dma_wait3A_122] : memref<4096x50x512xf32, #tpu.memory_space<hbm>> -> memref<1x48x512xf32, #tpu.memory_space<hbm>>
        %dma_wait3A_124 = tpu.memref_squeeze %dma_wait3A_123 : memref<1x48x512xf32, #tpu.memory_space<hbm>> -> memref<48x512xf32, #tpu.memory_space<hbm>>
        tpu.wait_dma2 semaphore(%arg14 : memref<!tpu.dma_semaphore, #tpu.memory_space<semaphore_mem>>) src(%arg11 : memref<48x512xf32, #tpu.memory_space<vmem>>) dst(%dma_wait3A_124 : memref<48x512xf32, #tpu.memory_space<hbm>>)
      } else {
      }
      %dma_start3A_69 = arith.constant 0 : i32
      %dma_start3A_70 = tpu.memref_slice %arg9[%scan3A_50, %dma_start3A_69] : memref<128x48xi32, #tpu.memory_space<vmem>> -> memref<1x48xi32, #tpu.memory_space<vmem>>
      %dma_start3A_71 = tpu.memref_squeeze %dma_start3A_70 : memref<1x48xi32, #tpu.memory_space<vmem>> -> memref<48xi32, #tpu.memory_space<vmem>>
      %dma_start3A_72 = arith.constant 0 : i32
      %dma_start3A_73 = arith.constant 0 : i32
      %dma_start3A_74 = tpu.memref_slice %arg3[%dma_start3A_72, %dma_start3A_73] : memref<119x512xf32, #tpu.memory_space<hbm>> -> memref<119x512xf32, #tpu.memory_space<hbm>>
      tpu.enqueue_indirect_dma source(%dma_start3A_74 : memref<119x512xf32, #tpu.memory_space<hbm>>) target(%arg11 : memref<48x512xf32, #tpu.memory_space<vmem>>) offsets(%dma_start3A_71 : memref<48xi32, #tpu.memory_space<vmem>>) semaphore(%arg13 : memref<!tpu.dma_semaphore, #tpu.memory_space<semaphore_mem>>)
      %dma_wait3A_75 = arith.constant 0 : i32
      %dma_wait3A_76 = arith.constant 0 : i32
      %dma_wait3A_77 = tpu.memref_slice %arg2[%dma_wait3A_75, %dma_wait3A_76] : memref<119x512xf32, #tpu.memory_space<hbm>> -> memref<48x512xf32, #tpu.memory_space<hbm>>
      %dma_wait3A_78 = arith.constant 0 : i32
      %dma_wait3A_79 = arith.constant 0 : i32
      %dma_wait3A_80 = tpu.memref_slice %arg2[%dma_wait3A_78, %dma_wait3A_79] : memref<119x512xf32, #tpu.memory_space<hbm>> -> memref<48x512xf32, #tpu.memory_space<hbm>>
      tpu.wait_dma2 semaphore(%arg13 : memref<!tpu.dma_semaphore, #tpu.memory_space<semaphore_mem>>) src(%dma_wait3A_80 : memref<48x512xf32, #tpu.memory_space<hbm>>) dst(%arg10 : memref<48x512xf32, #tpu.memory_space<vmem>>)
      %add3A_81 = arith.addi %mul3A_2, %scan3A_50 : i32
      %dma_start3A_82 = arith.constant 0 : i32
      %dma_start3A_83 = arith.constant 0 : i32
      %dma_start3A_84 = tpu.memref_slice %arg6[%add3A_81, %dma_start3A_82, %dma_start3A_83] : memref<4096x50x512xf32, #tpu.memory_space<hbm>> -> memref<1x48x512xf32, #tpu.memory_space<hbm>>
      %dma_start3A_85 = tpu.memref_squeeze %dma_start3A_84 : memref<1x48x512xf32, #tpu.memory_space<hbm>> -> memref<48x512xf32, #tpu.memory_space<hbm>>
      %dma_start3A_86 = arith.constant 0 : i32
      %dma_start3A_87 = arith.constant 0 : i32
      %dma_start3A_88 = tpu.memref_slice %arg6[%add3A_81, %dma_start3A_86, %dma_start3A_87] : memref<4096x50x512xf32, #tpu.memory_space<hbm>> -> memref<1x48x512xf32, #tpu.memory_space<hbm>>
      %dma_start3A_89 = tpu.memref_squeeze %dma_start3A_88 : memref<1x48x512xf32, #tpu.memory_space<hbm>> -> memref<48x512xf32, #tpu.memory_space<hbm>>
      tpu.enqueue_dma source(%arg10 : memref<48x512xf32, #tpu.memory_space<vmem>>) target(%dma_start3A_89 : memref<48x512xf32, #tpu.memory_space<hbm>>) target_semaphore(%arg14 : memref<!tpu.dma_semaphore, #tpu.memory_space<semaphore_mem>>)
      %gt3A_90 = arith.constant 0 : i32
      %gt3A_91 = arith.cmpi sgt, %scan3A_50, %gt3A_90 : i32
      %convert_element_type3A_92 = arith.extui %gt3A_91 : i1 to i32
      %cond3A_93 = arith.constant 0 : i32
      %cond3A_94 = arith.cmpi ne, %convert_element_type3A_92, %cond3A_93 : i32
      scf.if %cond3A_94 {
        %dma_wait3A_116 = arith.constant 0 : i32
        %dma_wait3A_117 = arith.constant 0 : i32
        %dma_wait3A_118 = arith.constant 0 : i32
        %dma_wait3A_119 = tpu.memref_slice %arg6[%dma_wait3A_116, %dma_wait3A_117, %dma_wait3A_118] : memref<4096x50x512xf32, #tpu.memory_space<hbm>> -> memref<1x48x512xf32, #tpu.memory_space<hbm>>
        %dma_wait3A_120 = tpu.memref_squeeze %dma_wait3A_119 : memref<1x48x512xf32, #tpu.memory_space<hbm>> -> memref<48x512xf32, #tpu.memory_space<hbm>>
        %dma_wait3A_121 = arith.constant 0 : i32
        %dma_wait3A_122 = arith.constant 0 : i32
        %dma_wait3A_123 = tpu.memref_slice %arg6[%dma_wait3A_116, %dma_wait3A_121, %dma_wait3A_122] : memref<4096x50x512xf32, #tpu.memory_space<hbm>> -> memref<1x48x512xf32, #tpu.memory_space<hbm>>
        %dma_wait3A_124 = tpu.memref_squeeze %dma_wait3A_123 : memref<1x48x512xf32, #tpu.memory_space<hbm>> -> memref<48x512xf32, #tpu.memory_space<hbm>>
        tpu.wait_dma2 semaphore(%arg14 : memref<!tpu.dma_semaphore, #tpu.memory_space<semaphore_mem>>) src(%arg12 : memref<48x512xf32, #tpu.memory_space<vmem>>) dst(%dma_wait3A_124 : memref<48x512xf32, #tpu.memory_space<hbm>>)
      } else {
      }
      %dma_start3A_95 = arith.constant 0 : i32
      %dma_start3A_96 = tpu.memref_slice %arg9[%scan3A_50, %dma_start3A_95] : memref<128x48xi32, #tpu.memory_space<vmem>> -> memref<1x48xi32, #tpu.memory_space<vmem>>
      %dma_start3A_97 = tpu.memref_squeeze %dma_start3A_96 : memref<1x48xi32, #tpu.memory_space<vmem>> -> memref<48xi32, #tpu.memory_space<vmem>>
      %dma_start3A_98 = arith.constant 0 : i32
      %dma_start3A_99 = arith.constant 0 : i32
      %dma_start3A_100 = tpu.memref_slice %arg4[%dma_start3A_98, %dma_start3A_99] : memref<119x512xf32, #tpu.memory_space<hbm>> -> memref<119x512xf32, #tpu.memory_space<hbm>>
      tpu.enqueue_indirect_dma source(%dma_start3A_100 : memref<119x512xf32, #tpu.memory_space<hbm>>) target(%arg12 : memref<48x512xf32, #tpu.memory_space<vmem>>) offsets(%dma_start3A_97 : memref<48xi32, #tpu.memory_space<vmem>>) semaphore(%arg13 : memref<!tpu.dma_semaphore, #tpu.memory_space<semaphore_mem>>)
      %dma_wait3A_101 = arith.constant 0 : i32
      %dma_wait3A_102 = arith.constant 0 : i32
      %dma_wait3A_103 = tpu.memref_slice %arg2[%dma_wait3A_101, %dma_wait3A_102] : memref<119x512xf32, #tpu.memory_space<hbm>> -> memref<48x512xf32, #tpu.memory_space<hbm>>
      %dma_wait3A_104 = arith.constant 0 : i32
      %dma_wait3A_105 = arith.constant 0 : i32
      %dma_wait3A_106 = tpu.memref_slice %arg2[%dma_wait3A_104, %dma_wait3A_105] : memref<119x512xf32, #tpu.memory_space<hbm>> -> memref<48x512xf32, #tpu.memory_space<hbm>>
      tpu.wait_dma2 semaphore(%arg13 : memref<!tpu.dma_semaphore, #tpu.memory_space<semaphore_mem>>) src(%dma_wait3A_106 : memref<48x512xf32, #tpu.memory_space<hbm>>) dst(%arg11 : memref<48x512xf32, #tpu.memory_space<vmem>>)
      %add3A_107 = arith.addi %mul3A_2, %scan3A_50 : i32
      %dma_start3A_108 = arith.constant 0 : i32
      %dma_start3A_109 = arith.constant 0 : i32
      %dma_start3A_110 = tpu.memref_slice %arg7[%add3A_107, %dma_start3A_108, %dma_start3A_109] : memref<4096x50x512xf32, #tpu.memory_space<hbm>> -> memref<1x48x512xf32, #tpu.memory_space<hbm>>
      %dma_start3A_111 = tpu.memref_squeeze %dma_start3A_110 : memref<1x48x512xf32, #tpu.memory_space<hbm>> -> memref<48x512xf32, #tpu.memory_space<hbm>>
      %dma_start3A_112 = arith.constant 0 : i32
      %dma_start3A_113 = arith.constant 0 : i32
      %dma_start3A_114 = tpu.memref_slice %arg7[%add3A_107, %dma_start3A_112, %dma_start3A_113] : memref<4096x50x512xf32, #tpu.memory_space<hbm>> -> memref<1x48x512xf32, #tpu.memory_space<hbm>>
      %dma_start3A_115 = tpu.memref_squeeze %dma_start3A_114 : memref<1x48x512xf32, #tpu.memory_space<hbm>> -> memref<48x512xf32, #tpu.memory_space<hbm>>
      tpu.enqueue_dma source(%arg11 : memref<48x512xf32, #tpu.memory_space<vmem>>) target(%dma_start3A_115 : memref<48x512xf32, #tpu.memory_space<hbm>>) target_semaphore(%arg14 : memref<!tpu.dma_semaphore, #tpu.memory_space<semaphore_mem>>)
    }
    %scan3A_7 = arith.constant 128 : i32
    %dma_wait3A = arith.constant 0 : i32
    %dma_wait3A_8 = arith.constant 0 : i32
    %dma_wait3A_9 = tpu.memref_slice %arg2[%dma_wait3A, %dma_wait3A_8] : memref<119x512xf32, #tpu.memory_space<hbm>> -> memref<48x512xf32, #tpu.memory_space<hbm>>
    %dma_wait3A_10 = arith.constant 0 : i32
    %dma_wait3A_11 = arith.constant 0 : i32
    %dma_wait3A_12 = tpu.memref_slice %arg2[%dma_wait3A_10, %dma_wait3A_11] : memref<119x512xf32, #tpu.memory_space<hbm>> -> memref<48x512xf32, #tpu.memory_space<hbm>>
    tpu.wait_dma2 semaphore(%arg13 : memref<!tpu.dma_semaphore, #tpu.memory_space<semaphore_mem>>) src(%dma_wait3A_12 : memref<48x512xf32, #tpu.memory_space<hbm>>) dst(%arg12 : memref<48x512xf32, #tpu.memory_space<vmem>>)
    %add3A_13 = arith.constant 128 : i32
    %add3A_14 = arith.addi %mul3A_2, %add3A_13 : i32
    %sub3A = arith.constant 1 : i32
    %sub3A_15 = arith.subi %add3A_14, %sub3A : i32
    %dma_start3A = arith.constant 0 : i32
    %dma_start3A_16 = arith.constant 0 : i32
    %dma_start3A_17 = tpu.memref_slice %arg8[%sub3A_15, %dma_start3A, %dma_start3A_16] : memref<4096x50x512xf32, #tpu.memory_space<hbm>> -> memref<1x48x512xf32, #tpu.memory_space<hbm>>
    %dma_start3A_18 = tpu.memref_squeeze %dma_start3A_17 : memref<1x48x512xf32, #tpu.memory_space<hbm>> -> memref<48x512xf32, #tpu.memory_space<hbm>>
    %dma_start3A_19 = arith.constant 0 : i32
    %dma_start3A_20 = arith.constant 0 : i32
    %dma_start3A_21 = tpu.memref_slice %arg8[%sub3A_15, %dma_start3A_19, %dma_start3A_20] : memref<4096x50x512xf32, #tpu.memory_space<hbm>> -> memref<1x48x512xf32, #tpu.memory_space<hbm>>
    %dma_start3A_22 = tpu.memref_squeeze %dma_start3A_21 : memref<1x48x512xf32, #tpu.memory_space<hbm>> -> memref<48x512xf32, #tpu.memory_space<hbm>>
    tpu.enqueue_dma source(%arg12 : memref<48x512xf32, #tpu.memory_space<vmem>>) target(%dma_start3A_22 : memref<48x512xf32, #tpu.memory_space<hbm>>) target_semaphore(%arg14 : memref<!tpu.dma_semaphore, #tpu.memory_space<semaphore_mem>>)
    %dma_wait3A_23 = arith.constant 0 : i32
    %dma_wait3A_24 = arith.constant 0 : i32
    %dma_wait3A_25 = arith.constant 0 : i32
    %dma_wait3A_26 = tpu.memref_slice %arg6[%dma_wait3A_23, %dma_wait3A_24, %dma_wait3A_25] : memref<4096x50x512xf32, #tpu.memory_space<hbm>> -> memref<1x48x512xf32, #tpu.memory_space<hbm>>
    %dma_wait3A_27 = tpu.memref_squeeze %dma_wait3A_26 : memref<1x48x512xf32, #tpu.memory_space<hbm>> -> memref<48x512xf32, #tpu.memory_space<hbm>>
    %dma_wait3A_28 = arith.constant 0 : i32
    %dma_wait3A_29 = arith.constant 0 : i32
    %dma_wait3A_30 = tpu.memref_slice %arg6[%dma_wait3A_23, %dma_wait3A_28, %dma_wait3A_29] : memref<4096x50x512xf32, #tpu.memory_space<hbm>> -> memref<1x48x512xf32, #tpu.memory_space<hbm>>
    %dma_wait3A_31 = tpu.memref_squeeze %dma_wait3A_30 : memref<1x48x512xf32, #tpu.memory_space<hbm>> -> memref<48x512xf32, #tpu.memory_space<hbm>>
    tpu.wait_dma2 semaphore(%arg14 : memref<!tpu.dma_semaphore, #tpu.memory_space<semaphore_mem>>) src(%arg10 : memref<48x512xf32, #tpu.memory_space<vmem>>) dst(%dma_wait3A_31 : memref<48x512xf32, #tpu.memory_space<hbm>>)
    %dma_wait3A_32 = arith.constant 0 : i32
    %dma_wait3A_33 = arith.constant 0 : i32
    %dma_wait3A_34 = arith.constant 0 : i32
    %dma_wait3A_35 = tpu.memref_slice %arg6[%dma_wait3A_32, %dma_wait3A_33, %dma_wait3A_34] : memref<4096x50x512xf32, #tpu.memory_space<hbm>> -> memref<1x48x512xf32, #tpu.memory_space<hbm>>
    %dma_wait3A_36 = tpu.memref_squeeze %dma_wait3A_35 : memref<1x48x512xf32, #tpu.memory_space<hbm>> -> memref<48x512xf32, #tpu.memory_space<hbm>>
    %dma_wait3A_37 = arith.constant 0 : i32
    %dma_wait3A_38 = arith.constant 0 : i32
    %dma_wait3A_39 = tpu.memref_slice %arg6[%dma_wait3A_32, %dma_wait3A_37, %dma_wait3A_38] : memref<4096x50x512xf32, #tpu.memory_space<hbm>> -> memref<1x48x512xf32, #tpu.memory_space<hbm>>
    %dma_wait3A_40 = tpu.memref_squeeze %dma_wait3A_39 : memref<1x48x512xf32, #tpu.memory_space<hbm>> -> memref<48x512xf32, #tpu.memory_space<hbm>>
    tpu.wait_dma2 semaphore(%arg14 : memref<!tpu.dma_semaphore, #tpu.memory_space<semaphore_mem>>) src(%arg11 : memref<48x512xf32, #tpu.memory_space<vmem>>) dst(%dma_wait3A_40 : memref<48x512xf32, #tpu.memory_space<hbm>>)
    %dma_wait3A_41 = arith.constant 0 : i32
    %dma_wait3A_42 = arith.constant 0 : i32
    %dma_wait3A_43 = arith.constant 0 : i32
    %dma_wait3A_44 = tpu.memref_slice %arg6[%dma_wait3A_41, %dma_wait3A_42, %dma_wait3A_43] : memref<4096x50x512xf32, #tpu.memory_space<hbm>> -> memref<1x48x512xf32, #tpu.memory_space<hbm>>
    %dma_wait3A_45 = tpu.memref_squeeze %dma_wait3A_44 : memref<1x48x512xf32, #tpu.memory_space<hbm>> -> memref<48x512xf32, #tpu.memory_space<hbm>>
    %dma_wait3A_46 = arith.constant 0 : i32
    %dma_wait3A_47 = arith.constant 0 : i32
    %dma_wait3A_48 = tpu.memref_slice %arg6[%dma_wait3A_41, %dma_wait3A_46, %dma_wait3A_47] : memref<4096x50x512xf32, #tpu.memory_space<hbm>> -> memref<1x48x512xf32, #tpu.memory_space<hbm>>
    %dma_wait3A_49 = tpu.memref_squeeze %dma_wait3A_48 : memref<1x48x512xf32, #tpu.memory_space<hbm>> -> memref<48x512xf32, #tpu.memory_space<hbm>>
    tpu.wait_dma2 semaphore(%arg14 : memref<!tpu.dma_semaphore, #tpu.memory_space<semaphore_mem>>) src(%arg12 : memref<48x512xf32, #tpu.memory_space<vmem>>) dst(%dma_wait3A_49 : memref<48x512xf32, #tpu.memory_space<hbm>>)
    return
  }
}

module attributes {stable_mosaic.version = 14 : i64} {
  func.func @_proj_body(%arg0: memref<119x200xf32, #tpu.memory_space<vmem>>, %arg1: memref<200x512xf32, #tpu.memory_space<vmem>>, %arg2: memref<1x512xf32, #tpu.memory_space<vmem>>, %arg3: memref<119x22xf32, #tpu.memory_space<vmem>>, %arg4: memref<22x512xf32, #tpu.memory_space<vmem>>, %arg5: memref<1x512xf32, #tpu.memory_space<vmem>>, %arg6: memref<119x44xf32, #tpu.memory_space<vmem>>, %arg7: memref<44x512xf32, #tpu.memory_space<vmem>>, %arg8: memref<1x512xf32, #tpu.memory_space<vmem>>, %arg9: memref<119x512xf32, #tpu.memory_space<vmem>>, %arg10: memref<119x512xf32, #tpu.memory_space<vmem>>, %arg11: memref<119x512xf32, #tpu.memory_space<vmem>>) attributes {dimension_semantics = [], scalar_prefetch = 0 : i64, scratch_operands = 0 : i64, tpu.core_type = #tpu.core_type<tc>} {
    %get3A = arith.constant 0 : index
    %get3A_0 = arith.constant 0 : index
    %get3A_1 = vector.load %arg0[%get3A, %get3A_0] : memref<119x200xf32, #tpu.memory_space<vmem>>, vector<119x200xf32>
    %get3A_2 = arith.constant 0 : index
    %get3A_3 = arith.constant 0 : index
    %get3A_4 = vector.load %arg1[%get3A_2, %get3A_3] : memref<200x512xf32, #tpu.memory_space<vmem>>, vector<200x512xf32>
    %dot_general3A = arith.constant dense<0.000000e+00> : vector<119x512xf32>
    %dot_general3A_5 = tpu.matmul %get3A_1, %get3A_4, %dot_general3A {dimension_numbers = #tpu.dot_dimension_numbers<[1], [0], [0], [1], [0, 0, 1, 1], [], []>, transpose_lhs_hint = false} : vector<119x200xf32>, vector<200x512xf32>, vector<119x512xf32> -> vector<119x512xf32>
    %get3A_6 = arith.constant 0 : index
    %get3A_7 = arith.constant 0 : index
    %get3A_8 = vector.load %arg2[%get3A_6, %get3A_7] : memref<1x512xf32, #tpu.memory_space<vmem>>, vector<1x512xf32>
    %add3A = vector.broadcast %get3A_8 : vector<1x512xf32> to vector<119x512xf32>
    %add3A_9 = arith.addf %dot_general3A_5, %add3A : vector<119x512xf32>
    %swap3A = arith.constant 0 : index
    %swap3A_10 = arith.constant 0 : index
    %swap3A_11 = vector.load %arg9[%swap3A, %swap3A_10] : memref<119x512xf32, #tpu.memory_space<vmem>>, vector<119x512xf32>
    tpu.vector_store %arg9[%swap3A, %swap3A_10], %add3A_9 {strides = array<i32>} : memref<119x512xf32, #tpu.memory_space<vmem>>, vector<119x512xf32>,
    %get3A_12 = arith.constant 0 : index
    %get3A_13 = arith.constant 0 : index
    %get3A_14 = vector.load %arg3[%get3A_12, %get3A_13] : memref<119x22xf32, #tpu.memory_space<vmem>>, vector<119x22xf32>
    %get3A_15 = arith.constant 0 : index
    %get3A_16 = arith.constant 0 : index
    %get3A_17 = vector.load %arg4[%get3A_15, %get3A_16] : memref<22x512xf32, #tpu.memory_space<vmem>>, vector<22x512xf32>
    %dot_general3A_18 = arith.constant dense<0.000000e+00> : vector<119x512xf32>
    %dot_general3A_19 = tpu.matmul %get3A_14, %get3A_17, %dot_general3A_18 {dimension_numbers = #tpu.dot_dimension_numbers<[1], [0], [0], [1], [0, 0, 1, 1], [], []>, transpose_lhs_hint = false} : vector<119x22xf32>, vector<22x512xf32>, vector<119x512xf32> -> vector<119x512xf32>
    %get3A_20 = arith.constant 0 : index
    %get3A_21 = arith.constant 0 : index
    %get3A_22 = vector.load %arg5[%get3A_20, %get3A_21] : memref<1x512xf32, #tpu.memory_space<vmem>>, vector<1x512xf32>
    %add3A_23 = vector.broadcast %get3A_22 : vector<1x512xf32> to vector<119x512xf32>
    %add3A_24 = arith.addf %dot_general3A_19, %add3A_23 : vector<119x512xf32>
    %swap3A_25 = arith.constant 0 : index
    %swap3A_26 = arith.constant 0 : index
    %swap3A_27 = vector.load %arg10[%swap3A_25, %swap3A_26] : memref<119x512xf32, #tpu.memory_space<vmem>>, vector<119x512xf32>
    tpu.vector_store %arg10[%swap3A_25, %swap3A_26], %add3A_24 {strides = array<i32>} : memref<119x512xf32, #tpu.memory_space<vmem>>, vector<119x512xf32>,
    %get3A_28 = arith.constant 0 : index
    %get3A_29 = arith.constant 0 : index
    %get3A_30 = vector.load %arg6[%get3A_28, %get3A_29] : memref<119x44xf32, #tpu.memory_space<vmem>>, vector<119x44xf32>
    %get3A_31 = arith.constant 0 : index
    %get3A_32 = arith.constant 0 : index
    %get3A_33 = vector.load %arg7[%get3A_31, %get3A_32] : memref<44x512xf32, #tpu.memory_space<vmem>>, vector<44x512xf32>
    %dot_general3A_34 = arith.constant dense<0.000000e+00> : vector<119x512xf32>
    %dot_general3A_35 = tpu.matmul %get3A_30, %get3A_33, %dot_general3A_34 {dimension_numbers = #tpu.dot_dimension_numbers<[1], [0], [0], [1], [0, 0, 1, 1], [], []>, transpose_lhs_hint = false} : vector<119x44xf32>, vector<44x512xf32>, vector<119x512xf32> -> vector<119x512xf32>
    %get3A_36 = arith.constant 0 : index
    %get3A_37 = arith.constant 0 : index
    %get3A_38 = vector.load %arg8[%get3A_36, %get3A_37] : memref<1x512xf32, #tpu.memory_space<vmem>>, vector<1x512xf32>
    %add3A_39 = vector.broadcast %get3A_38 : vector<1x512xf32> to vector<119x512xf32>
    %add3A_40 = arith.addf %dot_general3A_35, %add3A_39 : vector<119x512xf32>
    %swap3A_41 = arith.constant 0 : index
    %swap3A_42 = arith.constant 0 : index
    %swap3A_43 = vector.load %arg11[%swap3A_41, %swap3A_42] : memref<119x512xf32, #tpu.memory_space<vmem>>, vector<119x512xf32>
    tpu.vector_store %arg11[%swap3A_41, %swap3A_42], %add3A_40 {strides = array<i32>} : memref<119x512xf32, #tpu.memory_space<vmem>>, vector<119x512xf32>,
    return
  }
}

module attributes {stable_mosaic.version = 14 : i64} {
  func.func @_fix_body(%arg0: i32, %arg1: memref<1x1x128xi32, #tpu.memory_space<vmem>>, %arg2: memref<128x512xf32, #tpu.memory_space<vmem>>, %arg3: memref<128x512xf32, #tpu.memory_space<vmem>>, %arg4: memref<128x512xf32, #tpu.memory_space<vmem>>, %arg5: memref<64x2x512xf32, #tpu.memory_space<vmem>>, %arg6: memref<64x2x512xf32, #tpu.memory_space<vmem>>, %arg7: memref<64x2x512xf32, #tpu.memory_space<vmem>>) attributes {dimension_semantics = [#tpu.dimension_semantics<arbitrary>], iteration_bounds = array<i64: 64>, scalar_prefetch = 0 : i64, scratch_operands = 0 : i64, tpu.core_type = #tpu.core_type<tc>, window_params = [{transform_indices = @transform_0, window_bounds = array<i64: 1, 1, 128>}, {pipeline_mode = #tpu.pipeline_mode<synchronous>, transform_indices = @transform_1, window_bounds = array<i64: 128, 512>}, {pipeline_mode = #tpu.pipeline_mode<synchronous>, transform_indices = @transform_2, window_bounds = array<i64: 128, 512>}, {pipeline_mode = #tpu.pipeline_mode<synchronous>, transform_indices = @transform_3, window_bounds = array<i64: 128, 512>}, {transform_indices = @transform_4, window_bounds = array<i64: 64, 2, 512>}, {transform_indices = @transform_5, window_bounds = array<i64: 64, 2, 512>}, {transform_indices = @transform_6, window_bounds = array<i64: 64, 2, 512>}]} {
    %get3A = arith.constant 0 : index
    %get3A_0 = arith.constant 0 : index
    %get3A_1 = arith.constant 0 : index
    %get3A_2 = vector.load %arg1[%get3A, %get3A_0, %get3A_1] : memref<1x1x128xi32, #tpu.memory_space<vmem>>, vector<1x1x128xi32>
    %get3A_3 = vector.shape_cast %get3A_2 : vector<1x1x128xi32> to vector<1x128xi32>
    %reshape3A = vector.shape_cast %get3A_3 : vector<1x128xi32> to vector<128x1xi32>
    %iota3A = tpu.iota {dimensions = array<i32: 1>} : vector<128x128xi32>
    %eq3A = vector.broadcast %reshape3A : vector<128x1xi32> to vector<128x128xi32>
    %eq3A_4 = arith.cmpi eq, %eq3A, %iota3A : vector<128x128xi32>
    %convert_element_type3A = arith.extui %eq3A_4 : vector<128x128xi1> to vector<128x128xi32>
    %convert_element_type3A_5 = arith.sitofp %convert_element_type3A : vector<128x128xi32> to vector<128x128xf32>
    %get3A_6 = arith.constant 0 : index
    %get3A_7 = arith.constant 0 : index
    %get3A_8 = vector.load %arg2[%get3A_6, %get3A_7] : memref<128x512xf32, #tpu.memory_space<vmem>>, vector<128x512xf32>
    %dot_general3A = arith.constant dense<0.000000e+00> : vector<128x512xf32>
    %dot_general3A_9 = tpu.matmul %convert_element_type3A_5, %get3A_8, %dot_general3A {dimension_numbers = #tpu.dot_dimension_numbers<[1], [0], [0], [1], [0, 0, 1, 1], [], []>, transpose_lhs_hint = false} : vector<128x128xf32>, vector<128x512xf32>, vector<128x512xf32> -> vector<128x512xf32>
    %reshape3A_10 = vector.shape_cast %dot_general3A_9 : vector<128x512xf32> to vector<64x2x512xf32>
    %swap3A = arith.constant 0 : index
    %swap3A_11 = arith.constant 0 : index
    %swap3A_12 = arith.constant 0 : index
    %swap3A_13 = vector.load %arg5[%swap3A, %swap3A_11, %swap3A_12] : memref<64x2x512xf32, #tpu.memory_space<vmem>>, vector<64x2x512xf32>
    tpu.vector_store %arg5[%swap3A, %swap3A_11, %swap3A_12], %reshape3A_10 {strides = array<i32>} : memref<64x2x512xf32, #tpu.memory_space<vmem>>, vector<64x2x512xf32>,
    %get3A_14 = arith.constant 0 : index
    %get3A_15 = arith.constant 0 : index
    %get3A_16 = vector.load %arg3[%get3A_14, %get3A_15] : memref<128x512xf32, #tpu.memory_space<vmem>>, vector<128x512xf32>
    %dot_general3A_17 = arith.constant dense<0.000000e+00> : vector<128x512xf32>
    %dot_general3A_18 = tpu.matmul %convert_element_type3A_5, %get3A_16, %dot_general3A_17 {dimension_numbers = #tpu.dot_dimension_numbers<[1], [0], [0], [1], [0, 0, 1, 1], [], []>, transpose_lhs_hint = false} : vector<128x128xf32>, vector<128x512xf32>, vector<128x512xf32> -> vector<128x512xf32>
    %reshape3A_19 = vector.shape_cast %dot_general3A_18 : vector<128x512xf32> to vector<64x2x512xf32>
    %swap3A_20 = arith.constant 0 : index
    %swap3A_21 = arith.constant 0 : index
    %swap3A_22 = arith.constant 0 : index
    %swap3A_23 = vector.load %arg6[%swap3A_20, %swap3A_21, %swap3A_22] : memref<64x2x512xf32, #tpu.memory_space<vmem>>, vector<64x2x512xf32>
    tpu.vector_store %arg6[%swap3A_20, %swap3A_21, %swap3A_22], %reshape3A_19 {strides = array<i32>} : memref<64x2x512xf32, #tpu.memory_space<vmem>>, vector<64x2x512xf32>,
    %get3A_24 = arith.constant 0 : index
    %get3A_25 = arith.constant 0 : index
    %get3A_26 = vector.load %arg4[%get3A_24, %get3A_25] : memref<128x512xf32, #tpu.memory_space<vmem>>, vector<128x512xf32>
    %dot_general3A_27 = arith.constant dense<0.000000e+00> : vector<128x512xf32>
    %dot_general3A_28 = tpu.matmul %convert_element_type3A_5, %get3A_26, %dot_general3A_27 {dimension_numbers = #tpu.dot_dimension_numbers<[1], [0], [0], [1], [0, 0, 1, 1], [], []>, transpose_lhs_hint = false} : vector<128x128xf32>, vector<128x512xf32>, vector<128x512xf32> -> vector<128x512xf32>
    %reshape3A_29 = vector.shape_cast %dot_general3A_28 : vector<128x512xf32> to vector<64x2x512xf32>
    %swap3A_30 = arith.constant 0 : index
    %swap3A_31 = arith.constant 0 : index
    %swap3A_32 = arith.constant 0 : index
    %swap3A_33 = vector.load %arg7[%swap3A_30, %swap3A_31, %swap3A_32] : memref<64x2x512xf32, #tpu.memory_space<vmem>>, vector<64x2x512xf32>
    tpu.vector_store %arg7[%swap3A_30, %swap3A_31, %swap3A_32], %reshape3A_29 {strides = array<i32>} : memref<64x2x512xf32, #tpu.memory_space<vmem>>, vector<64x2x512xf32>,
    return
  }
  func.func @transform_0(%arg0: i32) -> (i32, i32, i32) {
    %c0_i32 = arith.constant 0 : i32
    %c0_i32_0 = arith.constant 0 : i32
    %c0_i32_1 = arith.constant 0 : i32
    return %arg0, %c0_i32, %c0_i32_0 : i32, i32, i32
  }
  func.func @transform_1(%arg0: i32) -> (i32, i32) {
    %c0_i32 = arith.constant 0 : i32
    %c0_i32_0 = arith.constant 0 : i32
    %c0_i32_1 = arith.constant 0 : i32
    return %c0_i32, %c0_i32_0 : i32, i32
  }
  func.func @transform_2(%arg0: i32) -> (i32, i32) {
    %c0_i32 = arith.constant 0 : i32
    %c0_i32_0 = arith.constant 0 : i32
    %c0_i32_1 = arith.constant 0 : i32
    return %c0_i32, %c0_i32_0 : i32, i32
  }
  func.func @transform_3(%arg0: i32) -> (i32, i32) {
    %c0_i32 = arith.constant 0 : i32
    %c0_i32_0 = arith.constant 0 : i32
    %c0_i32_1 = arith.constant 0 : i32
    return %c0_i32, %c0_i32_0 : i32, i32
  }
  func.func @transform_4(%arg0: i32) -> (i32, i32, i32) {
    %c0_i32 = arith.constant 0 : i32
    %c0_i32_0 = arith.constant 0 : i32
    %c0_i32_1 = arith.constant 0 : i32
    return %arg0, %c0_i32, %c0_i32_0 : i32, i32, i32
  }
  func.func @transform_5(%arg0: i32) -> (i32, i32, i32) {
    %c0_i32 = arith.constant 0 : i32
    %c0_i32_0 = arith.constant 0 : i32
    %c0_i32_1 = arith.constant 0 : i32
    return %arg0, %c0_i32, %c0_i32_0 : i32, i32, i32
  }
  func.func @transform_6(%arg0: i32) -> (i32, i32, i32) {
    %c0_i32 = arith.constant 0 : i32
    %c0_i32_0 = arith.constant 0 : i32
    %c0_i32_1 = arith.constant 0 : i32
    return %arg0, %c0_i32, %c0_i32_0 : i32, i32, i32
  }
}

</mosaic_0001>

<sc_bundles>
// kernel: kernel.5.cloned.1.call-start
scs
__scs_entry_jumppad:
0x0: {  	(pc) =	sbr.rel $0x88, $3  }
0x1: {  	(tag) =	ssettag $0x0;
	lr =	simm.s32 $0x1  }
0x2: {  	[smem:$0x3F97] =	sst lr;
	_ =	strace $0xD0000000  }
0x3: {  	_ = 	snop  }
0x4: {  	_ = 	snop  }
0x5: {  	_ = 	snop  }
0x6: {  	_ = 	snop  }
0x7: {  	_ = 	snop  }
__scs_overlays_trampoline_lowered:
0x8: {  	[smem:$0x3FA6] =	sst s0  }
0x9: {  	[smem:$0x3FA7] =	sst s1  }
0xa: {  	[smem:$0x3FA8] =	sst s2  }
0xb: {  	[smem:$0x3FA9] =	sst s3  }
0xc: {  	[smem:$0x3FAA] =	sst s4  }
0xd: {  	[smem:$0x3FAB] =	sst s5  }
0xe: {  	[smem:$0x3FAC] =	sst s6  }
0xf: {  	[smem:$0x3FAD] =	sst s7  }
0x10: {  	[smem:$0x3FAE] =	sst s8  }
0x11: {  	[smem:$0x3FAF] =	sst s9;
	s0 =	simm.s32 @!p0 $0x0  }
0x12: {  	s1 =	sld [smem:$0x3F95];
	s0 =	simm.s32 @p0 $0x1  }
0x13: {  	[smem:$0x3FB0] =	sst s0;
	s0 =	simm.s32 @!p1 $0x0  }
0x14: {  	s2 =	sld [smem:$0x3F94];
	s0 =	simm.s32 @p1 $0x1  }
0x15: {  	[smem:$0x3FB1] =	sst s0;
	s0 =	simm.s32 @!p2 $0x0  }
0x16: {  	s3 =	sld [smem:$0x3FDB];
	s0 =	simm.s32 @p2 $0x1  }
0x17: {  	s4 =	simm.s32 $0x1BF5;
	[smem:$0x3FB3] =	sst s0  }
0x18: {  	s0 =	sld [smem:$0x3F96];
	_ =	swait.ge [sflag:s4], $0x0  }
0x19: {  	s7 =	sld [smem:$0x3F97]  }
0x1a: {  	s8 =	sadd.s32 $0xFFFFE003, lr  }
0x1b: {  	s9 =	sadd.s32 $0xFFFFFEF7, lr;
	s5 =	simm.s32 $0xFFFFFFFF;
	p2 =	slt.u32 s8, $0xFFFFF086  }
0x1c: {  	p1 =	slt.u32 s9, $0xF7A;
	s5 =	simm.s32 @!p2 $0x0  }
0x1d: {  	s5 =	simm.s32 @p1 $0x1;
	p0 =	seq.s32 s7, s2  }
0x1e: {  	s7 =	smul.u32 @!p0 $0xF7A, s2;
	p2 =	seq.s32 @!p0 s5, $0x0  }
0x1f: {  	s9 =	smul.u32 $0xF7A, s1;
	s8 =	simm.s32 @!p0 $0x1BF5;
	p2 =	por !p2, p0  }
0x20: {  	[sflag:s8] =	ssyncset.s32 @!p0 $0xFFFFF086;
	s6 =	sadd.s32 @!p0 s3, s7;
	s7 =	simm.s32 @!p0 $0x108  }
0x21: {  	s3 =	sadd.s32 s3, s9;
	s6 =	sadd.s32 @!p0 $0x88, s6;
	s7 =	simm.s32 @p2 $0x1082  }
0x22: {  	[simem:s7], [sflag:s8] =	dma.local @!p0 [hbm:s6], $0xF7A  }
0x23: {  	s9 =	sor.u32 $0xD0000000, s2;
	s6 =	simm.s32 $0x108;
	_ =	swait.ge @!p0 [sflag:s8], $0x0  }
0x24: {  	s3 =	sadd.s32 $0x88, s3;
	s6 =	simm.s32 @!p1 $0x1082;
	[sflag:s4] =	ssyncset.s32 $0xFFFFF086  }
0x25: {  	[simem:s6], [sflag:s4] =	dma.local [hbm:s3], $0xF7A  }
0x26: {  	[smem:$0x3F97] =	sst s1;
	(tag) =	ssettag s2;
	_ =	strace s9  }
0x27: {  	s1 =	sld [smem:$0x3FA7]  }
0x28: {  	s2 =	sld [smem:$0x3FA8]  }
0x29: {  	s4 =	sld [smem:$0x3FAA]  }
0x2a: {  	p0 =	seq.s32 s5, $0x0;
	s5 =	sld [smem:$0x3FAB]  }
0x2b: {  	s6 =	sld [smem:$0x3FAC]  }
0x2c: {  	s7 =	sld [smem:$0x3FAD]  }
0x2d: {  	s3 =	simm.s32 $0x108;
	s8 =	sld [smem:$0x3FAE]  }
0x2e: {  	s3 =	simm.s32 @!p0 $0x1082;
	s9 =	sld [smem:$0x3FAF]  }
0x2f: {  	lr =	sadd.s32 s0, s3;
	s0 =	sld [smem:$0x3FA6]  }
0x30: {  	s3 =	sld [smem:$0x3FA9]  }
0x31: {  	[smem:$0x3FB2] =	sst s10  }
0x32: {  	s10 =	sld [smem:$0x3FB0];
	_ =	sdelay $0x3  }
0x33: {  	p0 =	seq.s32 s10, $0x1;
	s10 =	sld [smem:$0x3FB2];
	_ =	sdelay $0x3  }
0x34: {  	[smem:$0x3FB2] =	sst s10  }
0x35: {  	s10 =	sld [smem:$0x3FB1];
	_ =	sdelay $0x3  }
0x36: {  	p1 =	seq.s32 s10, $0x1;
	s10 =	sld [smem:$0x3FB2];
	_ =	sdelay $0x3  }
0x37: {  	[smem:$0x3FB2] =	sst s10  }
0x38: {  	s10 =	sld [smem:$0x3FB3]  }
0x39: {  	_ = 	snop;
	(pc) =	sbr.ind lr, $3  }
0x3a: {  	_ = 	snop  }
0x3b: {  	_ = 	snop  }
0x3c: {  	p2 =	seq.s32 s10, $0x1;
	s10 =	sld [smem:$0x3FB2]  }
0x3d: {  	_ =	shalt  }
0x3e: {  	_ =	shalt  }
0x3f: {  	_ =	shalt  }
0x40: {  	_ =	shalt  }
0x41: {  	_ =	shalt  }
0x42: {  	_ =	shalt  }
0x43: {  	_ =	shalt  }
0x44: {  	_ =	shalt  }
0x45: {  	_ =	shalt  }
0x46: {  	_ =	shalt  }
0x47: {  	_ =	shalt  }
0x48: {  	_ =	shalt  }
0x49: {  	_ =	shalt  }
0x4a: {  	_ =	shalt  }
0x4b: {  	_ =	shalt  }
0x4c: {  	_ =	shalt  }
0x4d: {  	_ =	shalt  }
0x4e: {  	_ =	shalt  }
0x4f: {  	_ =	shalt  }
0x50: {  	_ =	shalt  }
0x51: {  	_ =	shalt  }
0x52: {  	_ =	shalt  }
0x53: {  	_ =	shalt  }
0x54: {  	_ =	shalt  }
0x55: {  	_ =	shalt  }
0x56: {  	_ =	shalt  }
0x57: {  	_ =	shalt  }
0x58: {  	_ =	shalt  }
0x59: {  	_ =	shalt  }
0x5a: {  	_ =	shalt  }
0x5b: {  	_ =	shalt  }
0x5c: {  	_ =	shalt  }
0x5d: {  	_ =	shalt  }
0x5e: {  	_ =	shalt  }
0x5f: {  	_ =	shalt  }
0x60: {  	_ =	shalt  }
0x61: {  	_ =	shalt  }
0x62: {  	_ =	shalt  }
0x63: {  	_ =	shalt  }
0x64: {  	_ =	shalt  }
0x65: {  	_ =	shalt  }
0x66: {  	_ =	shalt  }
0x67: {  	_ =	shalt  }
0x68: {  	_ =	shalt  }
0x69: {  	_ =	shalt  }
0x6a: {  	_ =	shalt  }
0x6b: {  	_ =	shalt  }
0x6c: {  	_ =	shalt  }
0x6d: {  	_ =	shalt  }
0x6e: {  	_ =	shalt  }
0x6f: {  	_ =	shalt  }
0x70: {  	_ =	shalt  }
0x71: {  	_ =	shalt  }
0x72: {  	_ =	shalt  }
0x73: {  	_ =	shalt  }
0x74: {  	_ =	shalt  }
0x75: {  	_ =	shalt  }
0x76: {  	_ =	shalt  }
0x77: {  	_ =	shalt  }
0x78: {  	_ =	shalt  }
0x79: {  	_ =	shalt  }
0x7a: {  	_ =	shalt  }
0x7b: {  	_ =	shalt  }
0x7c: {  	_ =	shalt  }
0x7d: {  	_ =	shalt  }
0x7e: {  	_ =	shalt  }
0x7f: {  	_ =	shalt  }
0x80: {  	_ =	shalt  }
0x81: {  	_ =	shalt  }
0x82: {  	_ =	shalt  }
0x83: {  	_ =	shalt  }
0x84: {  	_ =	shalt  }
0x85: {  	_ =	shalt  }
0x86: {  	_ =	shalt  }
0x87: {  	_ =	shalt  }
.Lfunc_end0:
.L_simem_size_0:
called_computation.1_lowered:
.L_overlay_start_0:
0x88: {  	s2 =	sld [smem:$0x3FD9]  }
0x89: {  	s3 =	sld [smem:$0x3FFE];
	_ =	sdelay $0x1  }
0x8a: {  	s1 =	srdreg.scid  }
0x8b: {  	s0 =	sand.u32 $0x1, s1  }
0x8c: {  	s14 =	sshll.u32 s0, $0xA;
	s2 =	sadd.s32 s3, s2  }
0x8d: {  	s2 =	sadd.s32 s2, s14  }
0x8e: {  	[smem:$0x3FBE] =	sst s2  }
0x8f: {  	_ = 	snop  }
0x90: {  	s2 =	sld [smem:$0x3FD0];
	_ =	sdelay $0x2  }
0x91: {  	s15 =	simm.s32 $0xA;
	s4 =	simm.s32 $0x10  }
0x92: {  	[smem:s4], [sflag:s15] =	dma.local [hbm:s2], $0x1  }
0x93: {  	_ =	swait.eq [sflag:s15], $0x1  }
0x94: {  	[sflag:s15] =	ssyncset.done $0x0  }
0x95: {  	[sflag:s15] =	ssyncadd.s32 $0xFFFFFFFF  }
0x96: {  	s16 =	sld [smem:$0x10];
	(tm) =	ssettm $0x1  }
0x97: {  	s17 =	sld [smem:$0x3FFB];
	_ =	sdelay $0x3  }
0x98: {  	_ =	strace s17  }
0x99: {  	s3 =	sld [smem:$0x3FFC];
	_ =	sdelay $0x3  }
0x9a: {  	_ =	strace s3  }
0x9b: {  	s3 =	sld [smem:$0x3FFD];
	_ =	sdelay $0x3  }
0x9c: {  	_ =	strace s3  }
0x9d: {  	_ =	strace $0x8FFFFFFF  }
0x9e: {  	s18 =	sld [smem:$0x3FDB];
	_ =	sdelay $0x1  }
0x9f: {  	s19 =	simm.s32 $_scs_section_size  }
0xa0: {  	s5 =	simm.s32 $_size__tile_overlayer_lowered;
	s6 =	simm.s32 $_tile_overlayer_lowered  }
0xa1: {  	s22 =	simm.s32 $0x1BFF;
	s21 =	sshll.u32 s6, $0x1;
	s3 =	sadd.s32 s19, s18  }
0xa2: {  	s7 =	simm.s32 $0x0;
	s20 =	sshll.u32 s5, $0x1;
	s5 =	sadd.s32 s21, s3  }
0xa3: {  	[timem:s7], [sflag:s22] =	dma.local [hbm:s5], s20  }
0xa4: {  	_ =	swait.ge [sflag:s22], s20  }
0xa5: {  	s4 =	ssub.s32 $0x0, s20;
	[sflag:s22] =	ssyncset.done $0x0  }
0xa6: {  	[sflag:s22] =	ssyncadd.s32 s4;
	_ =	sdelay $0x1  }
0xa7: {  	s23 =	simm.s32 $0x1B8B  }
0xa8: {  	_ =	swait.ge [sflag:s23], $0x1  }
0xa9: {  	[sflag:s23] =	ssyncset.done $0x0  }
0xaa: {  	s25 =	simm.s32 $0x1B8E;
	s24 =	sld [smem:$0x3FFE];
	[sflag:s23] =	ssyncadd.s32 $0xFFFFFFFF  }
0xab: {  	s26 =	simm.s32 $execute0_lowered;
	[smem:$0x3FD2] =	sst s25  }
0xac: {  	s5 =	sshll.u32 s26, $0x1;
	_ =	strace $0x80000046;
	[dreg:$0x1] =	wrdreg $0xFFFFFFFF  }
0xad: {  	s28 =	simm.s32 $_size_execute0_lowered;
	s3 =	sadd.s32 s3, s5;
	[dreg:$0x0] =	wrdreg $0x0  }
0xae: {  	s5 =	sshll.u32 s28, $0x1;
	[dreg:$0x2] =	wrdreg s3  }
0xaf: {  	[dreg:$0x3] =	wrdreg s5  }
0xb0: {  	[dreg:$0x4] =	wrdreg $0xC0  }
0xb1: {  	_ =	task [dreg:s7], $0x5FFFF  }
0xb2: {  	[dreg:$0x1] =	wrdreg $0xFFFFFFFF  }
0xb3: {  	[dreg:$0x0] =	wrdreg $0x60  }
0xb4: {  	[dreg:$0x2] =	wrdreg s24  }
0xb5: {  	[dreg:$0x3] =	wrdreg s16  }
0xb6: {  	[dreg:$0x4] =	wrdreg $0x9  }
0xb7: {  	_ =	task.clear_ibuf [dreg:s7], $0x5FFFF;
	_ =	strace $0x90000046  }
0xb8: {  	s29 =	simm.s32 $0x9;
	_ =	strace $0x80000048  }
0xb9: {  	_ =	swait.ge [sflag:s29], $0x1  }
0xba: {  	[sflag:s29] =	ssyncadd.s32 $0xFFFFFFFF  }
0xbb: {  	_ =	strace $0x90000048  }
0xbc: {  	_ =	sfence  }
0xbd: {  	s30 =	sld [smem:$0x0];
	_ =	sdelay $0x2  }
0xbe: {  	s31 =	sshll.u32 s1, $0xD;
	s1 =	sshrl.u32 s1, $0x2  }
0xbf: {  	s3 =	sand.u32 $0x4000, s31;
	s1 =	sadd.s32 s1, s30  }
0xc0: {  	s0 =	sor.u32 s3, s0;
	s1 =	sshll.u32 s1, $0x11  }
0xc1: {  	s0 =	sor.u32 s1, s0  }
0xc2: {  	s0 =	sadd.s32 $0x8F2B, s0  }
0xc3: {  	[sflag:s0] =	ssyncadd.remote.s32 $0x1  }
0xc4: {  	_ =	sfence.sel $0xFFFF  }
0xc5: {  	[dreg:$0x0] =	wrdreg $0xFFFFFFFF;
	(pc) =	sbr.abs _section_cstart, $3  }
0xc6: {  	[dreg:$0x1] =	wrdreg $0xFFFFFFFF  }
0xc7: {  	_ =	task.clear_ibuf [dreg:s7], $0x2FFFF;
	_ =	strace $0x9FFFFFFF  }
0xc8: {  	(tm) =	ssettm $0x7FFFFFFF  }
0xc9: {  	_ =	shalt  }
tec
execute0_lowered:
.L_overlay_start_1:
0x0: {  	(tag) =	ssettag $0x1  }
0x1: {  	s10 =	rddreg [dreg:$0x0]  }
0x2: {  	s7 =	rddreg [dreg:$0x1];
	s2 =	simm.s32 $0x0  }
0x3: {  	s6 =	simm.s32 $0x4800;
	[smem:$0x7FF] =	sst s2  }
0x4: {  	s8 =	simm.s32 $0x5000;
	_ =	strace $0x80000047;
	[dreg:$0x5] =	wrdreg s6  }
0x5: {  	s21 =	simm.s32 $0x5800;
	[dreg:$0x6] =	wrdreg s8  }
0x6: {  	s22 =	simm.s32 $0x6000;
	[dreg:$0x7] =	wrdreg s21  }
0x7: {  	s0 =	stileid.u32;
	s23 =	simm.s32 $0x6800;
	[dreg:$0x8] =	wrdreg s22  }
0x8: {  	s1 =	srdreg.scid;
	s24 =	simm.s32 $0x7000;
	[dreg:$0x9] =	wrdreg s23  }
0x9: {  	s26 =	simm.s32 $0x7800;
	s30 =	simm.s32 $0x8000;
	[dreg:$0xa] =	wrdreg s24  }
0xa: {  	s31 =	simm.s32 $0x8800;
	s13 =	simm.s32 $0x9000;
	[dreg:$0xb] =	wrdreg s26  }
0xb: {  	s14 =	simm.s32 $0x9800;
	s15 =	simm.s32 $0xB000;
	[dreg:$0xc] =	wrdreg s30  }
0xc: {  	s16 =	simm.s32 $0xB800;
	s17 =	simm.s32 $0xC000;
	[dreg:$0xd] =	wrdreg s31  }
0xd: {  	s18 =	simm.s32 $0xC800;
	s19 =	simm.s32 $0xD000;
	[dreg:$0xe] =	wrdreg s13  }
0xe: {  	s28 =	simm.s32 $0x0;
	s3 =	smul.u32 $0xE0000, s0;
	[dreg:$0xf] =	wrdreg s14  }
0xf: {  	s1 =	sand.u32 $0x1, s1;
	s25 =	sshll.u32 s0, $0x8;
	[dreg:$0x11] =	wrdreg s15  }
0x10: {  	s4 =	smul.u32 $0x70000, s1;
	s6 =	sadd.s32 $0x1C08000, s10;
	[dreg:$0x12] =	wrdreg s16  }
0x11: {  	s9 =	ssub.s32 $0x2, s1;
	s29 =	sshll.u32 s1, $0x7;
	[dreg:$0x13] =	wrdreg s17  }
0x12: {  	s8 =	sadd.s32 $0x2700, s10;
	s13 =	simm.s32 $0xA800;
	[dreg:$0x14] =	wrdreg s18  }
0x13: {  	[dreg:$0x15] =	wrdreg s19;
	s21 =	simm.s32 $0xD800;
	s14 =	smul.u32 $0x700000, s0  }
0x14: {  	s22 =	simm.s32 $0xE000;
	s1 =	smul.u32 $0x380000, s1;
	[dreg:$0x10] =	wrdreg s13  }
0x15: {  	s23 =	simm.s32 $0xE800;
	s24 =	simm.s32 $0xF000;
	[dreg:$0x16] =	wrdreg s21  }
0x16: {  	s26 =	simm.s32 $0x10800;
	s15 =	simm.s32 $0x4000;
	[dreg:$0x17] =	wrdreg s22  }
0x17: {  	s30 =	simm.s32 $0x11800;
	s16 =	simm.s32 $0xA000;
	[dreg:$0x18] =	wrdreg s23  }
0x18: {  	s31 =	simm.s32 $0x12000;
	s17 =	simm.s32 $0x1;
	[dreg:$0x19] =	wrdreg s24  }
0x19: {  	s18 =	simm.s32 $0x10000;
	s19 =	simm.s32 $0x12800;
	[dreg:$0x1b] =	wrdreg s26  }
0x1a: {  	s3 =	sadd.s32 s3, s10;
	s11 =	sshrl.u32 s9, $0x1;
	[dreg:$0x1d] =	wrdreg s30  }
0x1b: {  	[dreg:$0x1e] =	wrdreg s31;
	s21 =	simm.s32 $0x13800;
	s22 =	simm.s32 $0x14000  }
0x1c: {  	s23 =	simm.s32 $0x14800;
	s24 =	simm.s32 $0x15000;
	s26 =	simm.s32 $0x2  }
0x1d: {  	s4 =	sadd.s32 s4, s3;
	s3 =	sadd.s32 $0x2600, s10;
	s12 =	ssub.s32 s9, s11  }
0x1e: {  	s11 =	sor.u32 s29, s25;
	s1 =	sadd.s32 s1, s14;
	s25 =	simm.s32 $0xF800  }
0x1f: {  	s14 =	simm.s32 $0x3;
	s29 =	simm.s32 $0x11000;
	s5 =	sadd.s32 $0xE08000, s4  }
0x20: {  	s20 =	sadd.s32 $0x8000, s4;
	s4 =	sadd.s32 $0x4400, s10;
	[dreg:$0x1a] =	wrdreg s25  }
0x21: {  	s9 =	sshll.u32 s11, $0x4;
	s11 =	smul.u32 $0x7000, s11;
	[dreg:$0x1c] =	wrdreg s29  }
0x22: {  	s12 =	smax.u32 s12, $0x1;
	s13 =	sadd.s32 $0xFFFF9000, s1;
	[dreg:$0x3] =	wrdreg s5  }
0x23: {  	s25 =	simm.s32 $0x15800;
	[dreg:$0x4] =	wrdreg s20;
	s11 =	sshrl.u32 s11, $0x3  }
0x24: {  	v2 =	vlaneseq.u32;
	s5 =	sadd.s32 $0x6200, s10;
	s7 =	sadd.s32 s7, s9;
	s11 =	sadd.s32 s6, s11  }
0x25: {  	vm0 =	vmmov $0xffff;
	v1 =	vshrl.u32 v2, $0x3;
	s9 =	sadd.s32 $0x4500, s10;
	[dreg:$0x1f] =	wrdreg s7;
	s20 =	sadd.s32 $0x6F200, s11  }
0x26: {  	v0 =	vand.u32 $0x7, v2;
	v2 =	vor.u32 $0x8, v2;
	v1 =	vmul.u32 $0x8, v1;
	s10 =	sadd.s32 $0x6300, s10;
	[smem:$0x7FD] =	sst s20;
	s20 =	simm.s32 $0x13000  }
.LBB2_1:
0x27: {  	s0 =	rddreg [dreg:$0x1f]  }
0x28: {  	[tilespmem:s2], [sflag:$0x3] =	stream.linear.gather [hbm4b:s0+s2], $0x4000, $0x38;
	[tilespmem:$0x16000] =	vst v63  }
0x29: {  	_ =	swait.ge [sflag:s14], $0x4000  }
0x2a: {  	s29 =	simm.s32 $0x20;
	[sflag:s14] =	ssyncset.done $0x0  }
0x2b: {  	s30 =	simm.s32 $0x0;
	s31 =	smov.u32 s13;
	[sflag:s14] =	ssyncadd.s32 $0xFFFFC000  }
.LBB2_2:
0x2c: {  	p0 =	seq.s32 s30, $0x0  }
0x2d: {  	s1 =	simm.s32 @!p0 $0x2  }
0x2e: {  	_ =	swait.ge @!p0 [sflag:s1], $0x6000  }
0x2f: {  	[sflag:s1] =	ssyncset.done @!p0 $0x0  }
0x30: {  	[sflag:s1] =	ssyncadd.s32 @!p0 $0xFFFFA000  }
0x31: {  	v3 =	vld [tilespmem:s29+$0xFFFFFFE0];
	_ =	sdelay $0x4  }
0x32: {  	v4 =	vshll.u32 v3, $0x2  }
0x33: {  	v3 =	vand.u32 $0x7, v3;
	v4 =	vand.u32 $0xFFFFFFE0, v4  }
0x34: {  	v3 =	vor.u32 v3, v4  }
0x35: {  	v4 =	vperm.xlane v3, v0;
	_ =	sdelay $0x1  }
0x36: {  	v4 =	vadd.s32 v1, v4;
	_ =	sdelay $0x1  }
0x37: {  	v3 =	vperm.xlane v3, v2;
	_ =	sdelay $0x1  }
0x38: {  	v3 =	vadd.s32 v1, v3  }
0x39: {  	[tilespmem:s15], [sflag:$0x1] =	stream.indirect_vreg.gather [hbm4b:s3+s2], $0x80, v4, vm0, $0xb8;
	[tilespmem:$0x16000] =	vst v63  }
0x3a: {  	s0 =	rddreg [dreg:$0x5]  }
0x3b: {  	[tilespmem:s0], [sflag:$0x1] =	stream.indirect_vreg.gather [hbm4b:s8+s2], $0x80, v4, vm0, $0xb8;
	[tilespmem:$0x16000] =	vst v63  }
0x3c: {  	s7 =	rddreg [dreg:$0x6]  }
0x3d: {  	[tilespmem:s7], [sflag:$0x1] =	stream.indirect_vreg.gather [hbm4b:s3+s2], $0x80, v3, vm0, $0xb8;
	[tilespmem:$0x16000] =	vst v63  }
0x3e: {  	s11 =	rddreg [dreg:$0x7]  }
0x3f: {  	[tilespmem:s11], [sflag:$0x1] =	stream.indirect_vreg.gather [hbm4b:s8+s2], $0x80, v3, vm0, $0xb8;
	[tilespmem:$0x16000] =	vst v63  }
0x40: {  	v3 =	vld [tilespmem:s29+$0xFFFFFFF0];
	_ =	sdelay $0x4  }
0x41: {  	v56 =	vshll.u32 v3, $0x2  }
0x42: {  	v3 =	vand.u32 $0x7, v3;
	v4 =	vand.u32 $0xFFFFFFE0, v56  }
0x43: {  	v3 =	vor.u32 v3, v4  }
0x44: {  	v4 =	vperm.xlane v3, v0;
	_ =	sdelay $0x1  }
0x45: {  	v4 =	vadd.s32 v1, v4;
	_ =	sdelay $0x1  }
0x46: {  	v3 =	vperm.xlane v3, v2;
	_ =	sdelay $0x1  }
0x47: {  	s7 =	rddreg [dreg:$0x8];
	v3 =	vadd.s32 v1, v3  }
0x48: {  	[tilespmem:s7], [sflag:$0x1] =	stream.indirect_vreg.gather [hbm4b:s3+s2], $0x80, v4, vm0, $0xb8;
	[tilespmem:$0x16000] =	vst v63  }
0x49: {  	s11 =	rddreg [dreg:$0x9]  }
0x4a: {  	[tilespmem:s11], [sflag:$0x1] =	stream.indirect_vreg.gather [hbm4b:s8+s2], $0x80, v4, vm0, $0xb8;
	[tilespmem:$0x16000] =	vst v63  }
0x4b: {  	s0 =	rddreg [dreg:$0xa]  }
0x4c: {  	[tilespmem:s0], [sflag:$0x1] =	stream.indirect_vreg.gather [hbm4b:s3+s2], $0x80, v3, vm0, $0xb8;
	[tilespmem:$0x16000] =	vst v63  }
0x4d: {  	s11 =	rddreg [dreg:$0xb]  }
0x4e: {  	[tilespmem:s11], [sflag:$0x1] =	stream.indirect_vreg.gather [hbm4b:s8+s2], $0x80, v3, vm0, $0xb8;
	[tilespmem:$0x16000] =	vst v63  }
0x4f: {  	v3 =	vld [tilespmem:s29+$0x0];
	_ =	sdelay $0x4  }
0x50: {  	v57 =	vshll.u32 v3, $0x2  }
0x51: {  	v3 =	vand.u32 $0x7, v3;
	v4 =	vand.u32 $0xFFFFFFE0, v57  }
0x52: {  	v3 =	vor.u32 v3, v4  }
0x53: {  	v4 =	vperm.xlane v3, v0;
	_ =	sdelay $0x1  }
0x54: {  	v4 =	vadd.s32 v1, v4;
	_ =	sdelay $0x1  }
0x55: {  	v3 =	vperm.xlane v3, v2;
	_ =	sdelay $0x1  }
0x56: {  	s7 =	rddreg [dreg:$0xc];
	v3 =	vadd.s32 v1, v3  }
0x57: {  	[tilespmem:s7], [sflag:$0x1] =	stream.indirect_vreg.gather [hbm4b:s3+s2], $0x80, v4, vm0, $0xb8;
	[tilespmem:$0x16000] =	vst v63  }
0x58: {  	s11 =	rddreg [dreg:$0xd]  }
0x59: {  	[tilespmem:s11], [sflag:$0x1] =	stream.indirect_vreg.gather [hbm4b:s8+s2], $0x80, v4, vm0, $0xb8;
	[tilespmem:$0x16000] =	vst v63  }
0x5a: {  	s0 =	rddreg [dreg:$0xe]  }
0x5b: {  	[tilespmem:s0], [sflag:$0x1] =	stream.indirect_vreg.gather [hbm4b:s3+s2], $0x80, v3, vm0, $0xb8;
	[tilespmem:$0x16000] =	vst v63  }
0x5c: {  	s11 =	rddreg [dreg:$0xf];
	s0 =	simm.s32 @!p0 $0x1  }
0x5d: {  	[tilespmem:s11], [sflag:$0x1] =	stream.indirect_vreg.gather [hbm4b:s8+s2], $0x80, v3, vm0, $0xb8;
	[tilespmem:$0x16000] =	vst v63  }
0x5e: {  	_ =	swait.ge @!p0 [sflag:s0], $0x6000  }
0x5f: {  	[sflag:s0] =	ssyncset.done @!p0 $0x0  }
0x60: {  	[sflag:s0] =	ssyncadd.s32 @!p0 $0xFFFFA000;
	s0 =	sshrl.u32 @!p0 s31, $0x3  }
0x61: {  	s7 =	simm.s32 @!p0 $0x0;
	s11 =	simm.s32 @!p0 $0x10000;
	s0 =	sadd.s32 @!p0 s6, s0  }
0x62: {  	[hbm4b:s0+s7] =	stream.linear.scatter @!p0 [tilespmem:s11], [sflag:$0x2], $0x6000, $0x38;
	[tilespmem:$0x16000] =	vst v63  }
0x63: {  	_ =	swait.ge @!p0 [sflag:s1], $0x6000  }
0x64: {  	[sflag:s1] =	ssyncset.done @!p0 $0x0  }
0x65: {  	[sflag:s1] =	ssyncadd.s32 @!p0 $0xFFFFA000  }
0x66: {  	v3 =	vld [tilespmem:s29+$0xFFFFFFE0];
	_ =	sdelay $0x4  }
0x67: {  	v58 =	vshll.u32 v3, $0x2  }
0x68: {  	v3 =	vand.u32 $0x7, v3;
	v4 =	vand.u32 $0xFFFFFFE0, v58  }
0x69: {  	v3 =	vor.u32 v3, v4  }
0x6a: {  	v4 =	vperm.xlane v3, v0;
	_ =	sdelay $0x1  }
0x6b: {  	v4 =	vadd.s32 v1, v4;
	_ =	sdelay $0x1  }
0x6c: {  	v3 =	vperm.xlane v3, v2;
	_ =	sdelay $0x1  }
0x6d: {  	v3 =	vadd.s32 v1, v3  }
0x6e: {  	[tilespmem:s16], [sflag:$0x1] =	stream.indirect_vreg.gather [hbm4b:s4+s2], $0x80, v4, vm0, $0xb8;
	[tilespmem:$0x16000] =	vst v63  }
0x6f: {  	s11 =	rddreg [dreg:$0x10]  }
0x70: {  	[tilespmem:s11], [sflag:$0x1] =	stream.indirect_vreg.gather [hbm4b:s9+s2], $0x80, v4, vm0, $0xb8;
	[tilespmem:$0x16000] =	vst v63  }
0x71: {  	s7 =	rddreg [dreg:$0x11]  }
0x72: {  	[tilespmem:s7], [sflag:$0x1] =	stream.indirect_vreg.gather [hbm4b:s4+s2], $0x80, v3, vm0, $0xb8;
	[tilespmem:$0x16000] =	vst v63  }
0x73: {  	s11 =	rddreg [dreg:$0x12]  }
0x74: {  	[tilespmem:s11], [sflag:$0x1] =	stream.indirect_vreg.gather [hbm4b:s9+s2], $0x80, v3, vm0, $0xb8;
	[tilespmem:$0x16000] =	vst v63  }
0x75: {  	v3 =	vld [tilespmem:s29+$0xFFFFFFF0];
	_ =	sdelay $0x4  }
0x76: {  	v59 =	vshll.u32 v3, $0x2  }
0x77: {  	v3 =	vand.u32 $0x7, v3;
	v4 =	vand.u32 $0xFFFFFFE0, v59  }
0x78: {  	v3 =	vor.u32 v3, v4  }
0x79: {  	v4 =	vperm.xlane v3, v0;
	_ =	sdelay $0x1  }
0x7a: {  	v4 =	vadd.s32 v1, v4;
	_ =	sdelay $0x1  }
0x7b: {  	v3 =	vperm.xlane v3, v2;
	_ =	sdelay $0x1  }
0x7c: {  	s7 =	rddreg [dreg:$0x13];
	v3 =	vadd.s32 v1, v3  }
0x7d: {  	[tilespmem:s7], [sflag:$0x1] =	stream.indirect_vreg.gather [hbm4b:s4+s2], $0x80, v4, vm0, $0xb8;
	[tilespmem:$0x16000] =	vst v63  }
0x7e: {  	s11 =	rddreg [dreg:$0x14]  }
0x7f: {  	[tilespmem:s11], [sflag:$0x1] =	stream.indirect_vreg.gather [hbm4b:s9+s2], $0x80, v4, vm0, $0xb8;
	[tilespmem:$0x16000] =	vst v63  }
0x80: {  	s0 =	rddreg [dreg:$0x15]  }
0x81: {  	[tilespmem:s0], [sflag:$0x1] =	stream.indirect_vreg.gather [hbm4b:s4+s2], $0x80, v3, vm0, $0xb8;
	[tilespmem:$0x16000] =	vst v63  }
0x82: {  	s11 =	rddreg [dreg:$0x16]  }
0x83: {  	[tilespmem:s11], [sflag:$0x1] =	stream.indirect_vreg.gather [hbm4b:s9+s2], $0x80, v3, vm0, $0xb8;
	[tilespmem:$0x16000] =	vst v63  }
0x84: {  	v3 =	vld [tilespmem:s29+$0x0];
	_ =	sdelay $0x4  }
0x85: {  	v60 =	vshll.u32 v3, $0x2  }
0x86: {  	v3 =	vand.u32 $0x7, v3;
	v4 =	vand.u32 $0xFFFFFFE0, v60  }
0x87: {  	v3 =	vor.u32 v3, v4  }
0x88: {  	v4 =	vperm.xlane v3, v0;
	_ =	sdelay $0x1  }
0x89: {  	v4 =	vadd.s32 v1, v4;
	_ =	sdelay $0x1  }
0x8a: {  	v3 =	vperm.xlane v3, v2;
	_ =	sdelay $0x1  }
0x8b: {  	s7 =	rddreg [dreg:$0x17];
	v3 =	vadd.s32 v1, v3  }
0x8c: {  	[tilespmem:s7], [sflag:$0x1] =	stream.indirect_vreg.gather [hbm4b:s4+s2], $0x80, v4, vm0, $0xb8;
	[tilespmem:$0x16000] =	vst v63  }
0x8d: {  	s11 =	rddreg [dreg:$0x18]  }
0x8e: {  	[tilespmem:s11], [sflag:$0x1] =	stream.indirect_vreg.gather [hbm4b:s9+s2], $0x80, v4, vm0, $0xb8;
	[tilespmem:$0x16000] =	vst v63  }
0x8f: {  	s0 =	rddreg [dreg:$0x19]  }
0x90: {  	[tilespmem:s0], [sflag:$0x1] =	stream.indirect_vreg.gather [hbm4b:s4+s2], $0x80, v3, vm0, $0xb8;
	[tilespmem:$0x16000] =	vst v63  }
0x91: {  	s11 =	rddreg [dreg:$0x1a]  }
0x92: {  	[tilespmem:s11], [sflag:$0x1] =	stream.indirect_vreg.gather [hbm4b:s9+s2], $0x80, v3, vm0, $0xb8;
	[tilespmem:$0x16000] =	vst v63  }
0x93: {  	_ =	swait.ge [sflag:s17], $0x6000  }
0x94: {  	s11 =	rddreg [dreg:$0x4];
	[sflag:s17] =	ssyncset.done $0x0  }
0x95: {  	[sflag:s17] =	ssyncadd.s32 $0xFFFFA000;
	s0 =	sadd.s32 s30, s11  }
0x96: {  	[hbm4b:s0+s2] =	stream.linear.scatter [tilespmem:s15], [sflag:$0x2], $0x6000, $0x38;
	[tilespmem:$0x16000] =	vst v63  }
0x97: {  	_ =	swait.ge @!p0 [sflag:s1], $0x6000  }
0x98: {  	[sflag:s1] =	ssyncset.done @!p0 $0x0  }
0x99: {  	[sflag:s1] =	ssyncadd.s32 @!p0 $0xFFFFA000  }
0x9a: {  	v3 =	vld [tilespmem:s29+$0xFFFFFFE0];
	_ =	sdelay $0x4  }
0x9b: {  	v61 =	vshll.u32 v3, $0x2  }
0x9c: {  	v3 =	vand.u32 $0x7, v3;
	v4 =	vand.u32 $0xFFFFFFE0, v61  }
0x9d: {  	v3 =	vor.u32 v3, v4  }
0x9e: {  	v4 =	vperm.xlane v3, v0;
	_ =	sdelay $0x1  }
0x9f: {  	v4 =	vadd.s32 v1, v4;
	_ =	sdelay $0x1  }
0xa0: {  	v3 =	vperm.xlane v3, v2;
	_ =	sdelay $0x1  }
0xa1: {  	v3 =	vadd.s32 v1, v3  }
0xa2: {  	[tilespmem:s18], [sflag:$0x1] =	stream.indirect_vreg.gather [hbm4b:s5+s2], $0x80, v4, vm0, $0xb8;
	[tilespmem:$0x16000] =	vst v63  }
0xa3: {  	s1 =	rddreg [dreg:$0x1b]  }
0xa4: {  	[tilespmem:s1], [sflag:$0x1] =	stream.indirect_vreg.gather [hbm4b:s10+s2], $0x80, v4, vm0, $0xb8;
	[tilespmem:$0x16000] =	vst v63  }
0xa5: {  	s7 =	rddreg [dreg:$0x1c]  }
0xa6: {  	[tilespmem:s7], [sflag:$0x1] =	stream.indirect_vreg.gather [hbm4b:s5+s2], $0x80, v3, vm0, $0xb8;
	[tilespmem:$0x16000] =	vst v63  }
0xa7: {  	s11 =	rddreg [dreg:$0x1d]  }
0xa8: {  	[tilespmem:s11], [sflag:$0x1] =	stream.indirect_vreg.gather [hbm4b:s10+s2], $0x80, v3, vm0, $0xb8;
	[tilespmem:$0x16000] =	vst v63  }
0xa9: {  	v3 =	vld [tilespmem:s29+$0xFFFFFFF0];
	_ =	sdelay $0x4  }
0xaa: {  	v62 =	vshll.u32 v3, $0x2  }
0xab: {  	v3 =	vand.u32 $0x7, v3;
	v4 =	vand.u32 $0xFFFFFFE0, v62  }
0xac: {  	v3 =	vor.u32 v3, v4  }
0xad: {  	v4 =	vperm.xlane v3, v0;
	_ =	sdelay $0x1  }
0xae: {  	v4 =	vadd.s32 v1, v4;
	_ =	sdelay $0x1  }
0xaf: {  	v3 =	vperm.xlane v3, v2;
	_ =	sdelay $0x1  }
0xb0: {  	s7 =	rddreg [dreg:$0x1e];
	v3 =	vadd.s32 v1, v3  }
0xb1: {  	[tilespmem:s7], [sflag:$0x1] =	stream.indirect_vreg.gather [hbm4b:s5+s2], $0x80, v4, vm0, $0xb8;
	[tilespmem:$0x16000] =	vst v63  }
0xb2: {  	_ = 	snop  }
0xb3: {  	[tilespmem:s19], [sflag:$0x1] =	stream.indirect_vreg.gather [hbm4b:s10+s2], $0x80, v4, vm0, $0xb8;
	[tilespmem:$0x16000] =	vst v63  }
0xb4: {  	_ = 	snop  }
0xb5: {  	[tilespmem:s20], [sflag:$0x1] =	stream.indirect_vreg.gather [hbm4b:s5+s2], $0x80, v3, vm0, $0xb8;
	[tilespmem:$0x16000] =	vst v63  }
0xb6: {  	_ = 	snop  }
0xb7: {  	[tilespmem:s21], [sflag:$0x1] =	stream.indirect_vreg.gather [hbm4b:s10+s2], $0x80, v3, vm0, $0xb8;
	[tilespmem:$0x16000] =	vst v63  }
0xb8: {  	v3 =	vld [tilespmem:s29+$0x0];
	_ =	sdelay $0x4  }
0xb9: {  	v63 =	vshll.u32 v3, $0x2  }
0xba: {  	v3 =	vand.u32 $0x7, v3;
	v4 =	vand.u32 $0xFFFFFFE0, v63  }
0xbb: {  	v3 =	vor.u32 v3, v4  }
0xbc: {  	v4 =	vperm.xlane v3, v0;
	_ =	sdelay $0x1  }
0xbd: {  	v4 =	vadd.s32 v1, v4;
	_ =	sdelay $0x1  }
0xbe: {  	v3 =	vperm.xlane v3, v2;
	_ =	sdelay $0x1  }
0xbf: {  	v3 =	vadd.s32 v1, v3  }
0xc0: {  	[tilespmem:s22], [sflag:$0x1] =	stream.indirect_vreg.gather [hbm4b:s5+s2], $0x80, v4, vm0, $0xb8;
	[tilespmem:$0x16000] =	vst v63  }
0xc1: {  	_ = 	snop  }
0xc2: {  	[tilespmem:s23], [sflag:$0x1] =	stream.indirect_vreg.gather [hbm4b:s10+s2], $0x80, v4, vm0, $0xb8;
	[tilespmem:$0x16000] =	vst v63  }
0xc3: {  	_ = 	snop  }
0xc4: {  	[tilespmem:s24], [sflag:$0x1] =	stream.indirect_vreg.gather [hbm4b:s5+s2], $0x80, v3, vm0, $0xb8;
	[tilespmem:$0x16000] =	vst v63  }
0xc5: {  	_ = 	snop  }
0xc6: {  	[tilespmem:s25], [sflag:$0x1] =	stream.indirect_vreg.gather [hbm4b:s10+s2], $0x80, v3, vm0, $0xb8;
	[tilespmem:$0x16000] =	vst v63  }
0xc7: {  	_ =	swait.ge [sflag:s17], $0x6000  }
0xc8: {  	s11 =	rddreg [dreg:$0x3]  }
0xc9: {  	s0 =	sadd.s32 s30, s11;
	s30 =	sadd.s32 $0xE00, s30  }
0xca: {  	p0 =	sne.s32 s30, $0x70000  }
.Ltmp0:
0xcb: {  	_ = 	snop;
	(pc) =	sbr.rel @p0 .LBB2_2-.Ltmp0, $4  }
0xcc: {  	_ = 	snop  }
0xcd: {  	[sflag:s17] =	ssyncset.done $0x0  }
0xce: {  	s31 =	sadd.s32 $0x7000, s31;
	s29 =	sadd.s32 $0x80, s29;
	[sflag:s17] =	ssyncadd.s32 $0xFFFFA000  }
0xcf: {  	[hbm4b:s0+s2] =	stream.linear.scatter [tilespmem:s16], [sflag:$0x2], $0x6000, $0x38;
	[tilespmem:$0x16000] =	vst v63  }
0xd0: {  	_ =	swait.ge [sflag:s17], $0x6000  }
0xd1: {  	s0 =	sld [smem:$0x7FD]  }
0xd2: {  	[sflag:s17] =	ssyncset.done $0x0  }
0xd3: {  	[sflag:s17] =	ssyncadd.s32 $0xFFFFA000  }
0xd4: {  	[hbm4b:s0+s2] =	stream.linear.scatter [tilespmem:s18], [sflag:$0x2], $0x6000, $0x38;
	[tilespmem:$0x16000] =	vst v63  }
0xd5: {  	_ =	swait.ge [sflag:s26], $0x6000  }
0xd6: {  	[sflag:s26] =	ssyncset.done $0x0  }
0xd7: {  	s28 =	sadd.s32 $0x1, s28;
	[sflag:s26] =	ssyncadd.s32 $0xFFFFA000  }
0xd8: {  	p0 =	sne.s32 s28, s12;
	_ =	swait.ge [sflag:s26], $0x6000  }
.Ltmp1:
0xd9: {  	[sflag:s26] =	ssyncset.done $0x0;
	(pc) =	sbr.rel @p0 .LBB2_1-.Ltmp1, $4  }
0xda: {  	[sflag:s26] =	ssyncadd.s32 $0xFFFFA000  }
0xdb: {  	_ =	swait.ge [sflag:s26], $0x6000  }
0xdc: {  	[sflag:s26] =	ssyncset.done $0x0  }
0xdd: {  	[sflag:s26] =	ssyncadd.s32 $0xFFFFA000  }
0xde: {  	_ =	sfence.sel $0x180000  }
0xdf: {  	[bflag:$0x0] =	sbarrier.arrive $0xFFFF  }
0xe0: {  	_ =	strace $0x90000047  }
0xe1: {  	s0 =	stileid.u32;
	[bflag:$0x2] =	sbarrier.arrive $0xFFFF  }
0xe2: {  	p0 =	sne.s32 s0, $0x0;
	s0 =	rddreg [dreg:$0x2]  }
0xe3: {  	s0 =	sadd.s32 @!p0 $0x100000, s0  }
0xe4: {  	[sflag:s0] =	ssyncadd.tile.s32 @!p0 $0x1;
	_ =	shalt  }
.Lfunc_end2:
_tile_overlayer_lowered:
.L_overlay_start_2:
0xe5: {  	(tag) =	ssettag $0x2  }
0xe6: {  	s0 =	rddreg [dreg:$0x0];
	s2 =	stileid.u32  }
0xe7: {  	s1 =	rddreg [dreg:$0x1];
	p0 =	sne.s32 s2, $0x0  }
0xe8: {  	s3 =	rddreg [dreg:$0x2];
	[bflag:$0x3] =	sbarrier.arrive $0xFFFF;
	s2 =	simm.s32 @!p0 $0x1C03  }
0xe9: {  	[timem:s3], [sflag:s2] =	dma.local @!p0 [hbm:s0], s1  }
0xea: {  	s0 =	simm.s32 @!p0 $0x3  }
0xeb: {  	_ =	swait.ge @!p0 [sflag:s0], s1  }
0xec: {  	s1 =	ssub.s32 @!p0 $0x0, s1;
	[sflag:s0] =	ssyncset.done @!p0 $0x0  }
0xed: {  	[sflag:s0] =	ssyncadd.s32 @!p0 s1  }
0xee: {  	[bflag:$0x3] =	sbarrier.arrive $0xFFFF  }
0xef: {  	_ =	shalt  }

// kernel: sparse-core-data-format-call.cloned.1.call-start
scs
called_computation_lowered:
.L_overlay_start_0:
0x0: {  	s2 =	sld [smem:$0x3FD9]  }
0x1: {  	s3 =	sld [smem:$0x3FFE];
	_ =	sdelay $0x1  }
0x2: {  	s1 =	srdreg.scid  }
0x3: {  	s0 =	sand.u32 $0x1, s1  }
0x4: {  	s15 =	sshll.u32 s0, $0xA;
	s2 =	sadd.s32 s3, s2  }
0x5: {  	s2 =	sadd.s32 s2, s15  }
0x6: {  	[smem:$0x3FBE] =	sst s2  }
0x7: {  	_ = 	snop  }
0x8: {  	s2 =	sld [smem:$0x3FD0];
	_ =	sdelay $0x2  }
0x9: {  	s16 =	simm.s32 $0xA;
	s4 =	simm.s32 $0x10  }
0xa: {  	[smem:s4], [sflag:s16] =	dma.local [hbm:s2], $0x1  }
0xb: {  	_ =	swait.eq [sflag:s16], $0x1  }
0xc: {  	[sflag:s16] =	ssyncset.done $0x0  }
0xd: {  	[sflag:s16] =	ssyncadd.s32 $0xFFFFFFFF  }
0xe: {  	s17 =	sld [smem:$0x10];
	(tm) =	ssettm $0x1  }
0xf: {  	s18 =	sld [smem:$0x3FFB];
	_ =	sdelay $0x3  }
0x10: {  	_ =	strace s18  }
0x11: {  	s3 =	sld [smem:$0x3FFC];
	_ =	sdelay $0x3  }
0x12: {  	_ =	strace s3  }
0x13: {  	s3 =	sld [smem:$0x3FFD];
	_ =	sdelay $0x3  }
0x14: {  	_ =	strace s3  }
0x15: {  	_ =	strace $0x8FFFFFFF  }
0x16: {  	s19 =	sld [smem:$0x3FDB];
	_ =	sdelay $0x1  }
0x17: {  	s20 =	simm.s32 $_scs_section_size  }
0x18: {  	s5 =	simm.s32 $_size__tile_overlayer_lowered;
	s6 =	simm.s32 $_tile_overlayer_lowered  }
0x19: {  	s23 =	simm.s32 $0x1BFF;
	s22 =	sshll.u32 s6, $0x1;
	s3 =	sadd.s32 s20, s19  }
0x1a: {  	s7 =	simm.s32 $0x0;
	s21 =	sshll.u32 s5, $0x1;
	s5 =	sadd.s32 s22, s3  }
0x1b: {  	[timem:s7], [sflag:s23] =	dma.local [hbm:s5], s21  }
0x1c: {  	_ =	swait.ge [sflag:s23], s21  }
0x1d: {  	s4 =	ssub.s32 $0x0, s21;
	[sflag:s23] =	ssyncset.done $0x0  }
0x1e: {  	[sflag:s23] =	ssyncadd.s32 s4;
	_ =	sdelay $0x1  }
0x1f: {  	s24 =	simm.s32 $0x1B8B  }
0x20: {  	_ =	swait.ge [sflag:s24], $0x1  }
0x21: {  	[sflag:s24] =	ssyncset.done $0x0  }
0x22: {  	s26 =	simm.s32 $0x1B8E;
	s25 =	sld [smem:$0x3FFE];
	[sflag:s24] =	ssyncadd.s32 $0xFFFFFFFF  }
0x23: {  	s27 =	simm.s32 $execute0_lowered;
	[smem:$0x3FD2] =	sst s26  }
0x24: {  	s5 =	sshll.u32 s27, $0x1;
	_ =	strace $0x80000049;
	[dreg:$0x1] =	wrdreg $0xFFFFFFFF  }
0x25: {  	s28 =	simm.s32 $_size_execute0_lowered;
	s3 =	sadd.s32 s3, s5;
	[dreg:$0x0] =	wrdreg $0x0  }
0x26: {  	s5 =	sshll.u32 s28, $0x1;
	[dreg:$0x2] =	wrdreg s3  }
0x27: {  	[dreg:$0x3] =	wrdreg s5  }
0x28: {  	[dreg:$0x4] =	wrdreg $0xC0  }
0x29: {  	_ =	task [dreg:s7], $0x5FFFF  }
0x2a: {  	[dreg:$0x1] =	wrdreg $0xFFFFFFFF  }
0x2b: {  	[dreg:$0x0] =	wrdreg $0x60  }
0x2c: {  	[dreg:$0x2] =	wrdreg s25  }
0x2d: {  	[dreg:$0x3] =	wrdreg s17  }
0x2e: {  	[dreg:$0x4] =	wrdreg $0x9  }
0x2f: {  	_ =	task.clear_ibuf [dreg:s7], $0x5FFFF;
	_ =	strace $0x90000049  }
0x30: {  	s29 =	simm.s32 $0x9;
	_ =	strace $0x8000004B  }
0x31: {  	_ =	swait.ge [sflag:s29], $0x1  }
0x32: {  	[sflag:s29] =	ssyncadd.s32 $0xFFFFFFFF  }
0x33: {  	_ =	strace $0x9000004B  }
0x34: {  	_ =	sfence  }
0x35: {  	s30 =	sld [smem:$0x0];
	_ =	sdelay $0x2  }
0x36: {  	s31 =	sshll.u32 s1, $0xD;
	s1 =	sshrl.u32 s1, $0x2  }
0x37: {  	s3 =	sand.u32 $0x4000, s31;
	s1 =	sadd.s32 s1, s30  }
0x38: {  	s0 =	sor.u32 s3, s0;
	s1 =	sshll.u32 s1, $0x11  }
0x39: {  	s0 =	sor.u32 s1, s0  }
0x3a: {  	s0 =	sadd.s32 $0x8F2B, s0  }
0x3b: {  	[sflag:s0] =	ssyncadd.remote.s32 $0x1  }
0x3c: {  	_ =	sfence.sel $0xFFFF  }
0x3d: {  	[dreg:$0x0] =	wrdreg $0xFFFFFFFF;
	(pc) =	sbr.abs _section_cstart, $3  }
0x3e: {  	[dreg:$0x1] =	wrdreg $0xFFFFFFFF  }
0x3f: {  	_ =	task.clear_ibuf [dreg:s7], $0x2FFFF;
	_ =	strace $0x9FFFFFFF  }
0x40: {  	(tm) =	ssettm $0x7FFFFFFF  }
0x41: {  	_ =	shalt  }
tec
execute0_lowered:
.L_overlay_start_1:
0x0: {  	(tag) =	ssettag $0x1  }
0x1: {  	s0 =	srdreg.scid  }
0x2: {  	s1 =	sshll.u32 s0, $0x4  }
0x3: {  	s6 =	rddreg [dreg:$0x0];
	s0 =	stileid.u32;
	s1 =	sand.u32 $0x10, s1  }
0x4: {  	s3 =	rddreg [dreg:$0x1];
	s1 =	sor.u32 s0, s1  }
0x5: {  	s5 =	simm.s32 $0x1;
	s31 =	simm.s32 $0x2;
	s2 =	sshll.u32 s1, $0x7  }
0x6: {  	s14 =	simm.s32 $0x0;
	s8 =	simm.s32 $0x1000;
	s4 =	ssub.s32 $0x1000, s2  }
0x7: {  	s9 =	simm.s32 $0x0;
	s15 =	simm.s32 $0x0;
	s30 =	sand.u32 $0xF80, s4  }
0x8: {  	s16 =	simm.s32 $0x0;
	s10 =	simm.s32 $0x0;
	p0 =	sne.s32 s30, $0x0  }
.Ltmp0:
0x9: {  	s7 =	sshrl.u32 s4, $0xC;
	s5 =	simm.s32 @!p0 $0x0;
	(pc) =	sbr.rel .LBB1_1-.Ltmp0, $4  }
0xa: {  	s11 =	simm.s32 $0x0;
	s1 =	rddreg [dreg:$0x2];
	s5 =	sadd.s32 s5, s7  }
0xb: {  	_ =	strace $0x8000004A;
	s4 =	simm.s32 $0x1;
	s5 =	smul.u32 $0xC8, s5  }
0xc: {  	s13 =	simm.s32 $0x0;
	s6 =	sadd.s32 $0x8000, s6;
	[sflag:s4] =	ssyncpa.u1 $0x0  }
0xd: {  	s12 =	smov.u32 s2;
	[sflag:s31] =	ssyncpa.u1 $0x0;
	s7 =	sor.u32 $0x1, s5  }
.LBB1_4:
0xe: {  	_ =	sdelay $0x3  }
0xf: {  	[tilespmem:v0+s19+$0xFFFFFFD0 ss:$0x1] =	vst.idx.msk $0xffff, v6  }
0x10: {  	v56 =	vld.idx.msk [tilespmem:v1+s18+$0x0 ss:$0x1], $0xffff;
	[tilespmem:v0+s19+$0xFFFFFFE0 ss:$0x1] =	vst.idx.msk $0xffff, v4  }
0x11: {  	v57 =	vld.idx.msk [tilespmem:v1+s18+$0xFFFFFF90 ss:$0x1], $0xffff;
	[tilespmem:v0+s19+$0xFFFFFFF0 ss:$0x1] =	vst.idx.msk $0xffff, v2  }
0x12: {  	v58 =	vld.idx.msk [tilespmem:v1+s18+$0xFFFFFFA0 ss:$0x1], $0xffff;
	[tilespmem:v0+s19+$0x0 ss:$0x1] =	vst.idx.msk $0xffff, v3  }
0x13: {  	v59 =	vld.idx.msk [tilespmem:v1+s18+$0xFFFFFFB0 ss:$0x1], $0xffff;
	[tilespmem:v0+s19+$0x10 ss:$0x1] =	vst.idx.msk $0xffff, v5  }
0x14: {  	v60 =	vld.idx.msk [tilespmem:v1+s18+$0xFFFFFFC0 ss:$0x1], $0xffff;
	[tilespmem:v0+s19+$0x20 ss:$0x1] =	vst.idx.msk $0xffff, v7  }
0x15: {  	v61 =	vld.idx.msk [tilespmem:v1+s18+$0xFFFFFFD0 ss:$0x1], $0xffff;
	s27 =	sshll.u32 s16, $0x9;
	[tilespmem:v0+s18+$0x30 ss:$0x1] =	vst.idx.msk $0xffff, v56  }
0x16: {  	s20 =	sshll.u32 s14, $0x3;
	v62 =	vld.idx.msk [tilespmem:v1+s18+$0xFFFFFFE0 ss:$0x1], $0xffff;
	s28 =	sshll.u32 s16, $0x7;
	s30 =	sand.u32 $0x78, s14;
	[tilespmem:v0+s18+$0xFFFFFFC0 ss:$0x1] =	vst.idx.msk $0xffff, v57  }
0x17: {  	v63 =	vld.idx.msk [tilespmem:v1+s18+$0xFFFFFFF0 ss:$0x1], $0xffff;
	s15 =	sshll.u32 s15, $0x12;
	s19 =	sand.u32 $0x1FF000, s27;
	s20 =	sand.u32 $0x1FFC00, s20;
	[tilespmem:v0+s18+$0xFFFFFFD0 ss:$0x1] =	vst.idx.msk $0xffff, v58  }
0x18: {  	s29 =	sand.u32 $0x200, s28;
	s16 =	sand.u32 $0x180, s28;
	s19 =	sadd.s32 s19, s20;
	[tilespmem:v0+s18+$0xFFFFFFE0 ss:$0x1] =	vst.idx.msk $0xffff, v59  }
0x19: {  	s31 =	sand.u32 $0x7, s14;
	s16 =	sor.u32 s16, s30;
	s19 =	sor.u32 s29, s19;
	[tilespmem:v0+s18+$0xFFFFFFF0 ss:$0x1] =	vst.idx.msk $0xffff, v60  }
0x1a: {  	s15 =	sadd.s32 s3, s15;
	s16 =	sshrl.u32 s16, $0x3;
	s19 =	sshrl.u32 s19, $0x3;
	[tilespmem:v0+s18+$0x0 ss:$0x1] =	vst.idx.msk $0xffff, v61  }
0x1b: {  	s14 =	sshll.u32 s31, $0x12;
	s15 =	sadd.s32 s16, s15;
	[tilespmem:v0+s18+$0x10 ss:$0x1] =	vst.idx.msk $0xffff, v62;
	s19 =	sand.u32 $0x3FFC0, s19  }
0x1c: {  	s14 =	sor.u32 $0x400, s14;
	[tilespmem:v0+s18+$0x20 ss:$0x1] =	vst.idx.msk $0xffff, v63;
	s15 =	sadd.s32 s19, s15  }
0x1d: {  	[hbm4b:s15+s14] =	stream.strided.scatter [tilespmem:s17], [sflag:$0x2], $0x4000, s8, s14, $0x38;
	[tilespmem:$0x10000] =	vst v63  }
.LBB1_5:
0x1e: {  	s17 =	sadd.s32 $0x80, s10  }
0x1f: {  	s14 =	simm.s32 $0x1;
	p1 =	sgt.s32 s17, $0x1FF  }
0x20: {  	s14 =	simm.s32 @!p1 $0x0  }
0x21: {  	s18 =	sadd.s32 s14, s11  }
0x22: {  	s20 =	smov.u32 s12;
	s14 =	sadd.s32 $0x1000, s12;
	p2 =	sgt.s32 s18, $0x31  }
0x23: {  	s20 =	smov.u32 @p2 s14  }
0x24: {  	p0 =	slt.u32 s13, $0x2;
	s17 =	simm.s32 @p1 $0x0;
	p1 =	sgt.s32 s20, $0xFFF  }
0x25: {  	s19 =	simm.s32 @!p0 $0x2;
	s20 =	smov.u32 @p1 s2;
	p1 =	sne.s32 s13, s7  }
.Ltmp1:
0x26: {  	_ =	swait.ge @!p0 [sflag:s19], $0x4000;
	(pc) =	sbr.rel @!p1 .LBB1_6-.Ltmp1, $4  }
0x27: {  	s15 =	smov.u32 s11;
	[sflag:s19] =	ssyncset.done @!p0 $0x0  }
0x28: {  	s16 =	smov.u32 s12;
	s9 =	sadd.s32 $0x4000, s9;
	[sflag:s19] =	ssyncadd.s32 @!p0 $0xFFFFC000  }
0x29: {  	s18 =	simm.s32 @p2 $0x0;
	s14 =	smov.u32 s10;
	s10 =	smov.u32 s17  }
0x2a: {  	s11 =	smov.u32 s18;
	s13 =	sadd.s32 $0x1, s13;
	s12 =	smov.u32 s20  }
.LBB1_1:
0x2b: {  	p0 =	sge.u32 s13, s5  }
0x2c: {  	s17 =	sshll.u32 @!p0 s11, $0x9;
	s18 =	sshll.u32 @!p0 s10, $0x3  }
0x2d: {  	s19 =	sshll.u32 @!p0 s11, $0x7;
	s17 =	sand.u32 @!p0 $0xFFFFF000, s17;
	s18 =	sand.u32 @!p0 $0xFFFFFC00, s18  }
0x2e: {  	s17 =	sadd.s32 @!p0 s17, s18;
	s18 =	sand.u32 @!p0 $0x200, s19  }
0x2f: {  	s17 =	sor.u32 @!p0 s18, s17  }
0x30: {  	s17 =	sshrl.u32 @!p0 s17, $0x9  }
0x31: {  	s31 =	sadd.s32 $0xFFFFFFFF, s13;
	s18 =	smulhi.u32 @!p0 $0x4924925, s17  }
0x32: {  	s20 =	sxor.u32 @!p0 $0xFFFFFFFF, s13;
	s21 =	sand.u32 @!p0 $0x78, s10;
	s22 =	smul.u32 @!p0 $0xE00, s12  }
0x33: {  	s20 =	sshll.u32 @!p0 s20, $0xE;
	s19 =	sand.u32 @!p0 $0x180, s19;
	s18 =	smul.u32 @!p0 $0x38, s18  }
0x34: {  	s20 =	sand.u32 @!p0 $0x4000, s20;
	s19 =	sor.u32 @!p0 s21, s19;
	s21 =	sand.u32 @!p0 $0x7, s10  }
0x35: {  	s17 =	ssub.s32 @!p0 s17, s18;
	s18 =	sshrl.u32 @!p0 s19, $0x3;
	s19 =	sadd.s32 @!p0 s6, s22  }
0x36: {  	s17 =	sshll.u32 @!p0 s17, $0x6;
	s18 =	sadd.s32 @!p0 s18, s19;
	s19 =	sshll.u32 @!p0 s21, $0x12  }
0x37: {  	s17 =	sadd.s32 @!p0 s17, s18;
	s18 =	sor.u32 @!p0 $0x80, s19;
	s19 =	simm.s32 @!p0 $0x7000  }
0x38: {  	[tilespmem:s20], [sflag:$0x1] =	stream.strided.gather @!p0 [hbm4b:s17+s18], $0x4000, s19, s18, $0x38;
	[tilespmem:$0x10000] =	vst v63  }
0x39: {  	p0 =	sge.u32 s31, s5  }
.Ltmp2:
0x3a: {  	_ = 	snop;
	(pc) =	sbr.rel @p0 .LBB1_5-.Ltmp2, $1  }
0x3b: {  	_ =	sdelay $0x3  }
0x3c: {  	s17 =	sand.u32 $0x4000, s9  }
0x3d: {  	s18 =	sor.u32 $0x70, s17  }
0x3e: {  	v1 =	vmov s18;
	_ =	sdelay $0x1  }
0x3f: {  	_ =	swait.ge [sflag:s4], $0x4000  }
0x40: {  	[sflag:s4] =	ssyncset.done $0x0  }
0x41: {  	s19 =	simm.s32 $0x0;
	[sflag:s4] =	ssyncadd.s32 $0xFFFFC000  }
0x42: {  	s17 =	sor.u32 $0x8040, s17;
	v7 =	vld.idx.msk [tilespmem:v1+s19+$0x0 ss:$0x1], $0xffff  }
0x43: {  	v0 =	vmov s17;
	v8 =	vld.idx.msk [tilespmem:v1+s19+$0xFFFFFF90 ss:$0x1], $0xffff  }
0x44: {  	v6 =	vld.idx.msk [tilespmem:v1+s19+$0xFFFFFFA0 ss:$0x1], $0xffff  }
0x45: {  	v4 =	vld.idx.msk [tilespmem:v1+s19+$0xFFFFFFB0 ss:$0x1], $0xffff  }
0x46: {  	v2 =	vld.idx.msk [tilespmem:v1+s19+$0xFFFFFFC0 ss:$0x1], $0xffff  }
0x47: {  	s31 =	sshll.u32 s13, $0xE;
	v3 =	vld.idx.msk [tilespmem:v1+s19+$0xFFFFFFD0 ss:$0x1], $0xffff  }
0x48: {  	s17 =	sand.u32 $0x4000, s31;
	v5 =	vld.idx.msk [tilespmem:v1+s19+$0xFFFFFFE0 ss:$0x1], $0xffff;
	[tilespmem:v0+s19+$0x30 ss:$0x1] =	vst.idx.msk $0xffff, v7  }
0x49: {  	s20 =	simm.s32 $0x400;
	s18 =	simm.s32 $0x80;
	s17 =	sor.u32 $0x8000, s17;
	[tilespmem:v0+s19+$0xFFFFFFC0 ss:$0x1] =	vst.idx.msk $0xffff, v8;
	v7 =	vld.idx.msk [tilespmem:v1+s19+$0xFFFFFFF0 ss:$0x1], $0xffff  }
.LBB1_3:
0x4a: {  	p0 =	sne.s32 s20, $0xFE00;
	v8 =	vld.idx.msk [tilespmem:v1+s18+$0x0 ss:$0x1], $0xffff;
	[tilespmem:v0+s19+$0xFFFFFFD0 ss:$0x1] =	vst.idx.msk $0xffff, v6  }
0x4b: {  	v9 =	vld.idx.msk [tilespmem:v1+s18+$0xFFFFFF90 ss:$0x1], $0xffff;
	[tilespmem:v0+s19+$0xFFFFFFE0 ss:$0x1] =	vst.idx.msk $0xffff, v4  }
0x4c: {  	v6 =	vld.idx.msk [tilespmem:v1+s18+$0xFFFFFFA0 ss:$0x1], $0xffff;
	[tilespmem:v0+s19+$0xFFFFFFF0 ss:$0x1] =	vst.idx.msk $0xffff, v2  }
.Ltmp3:
0x4d: {  	v4 =	vld.idx.msk [tilespmem:v1+s18+$0xFFFFFFB0 ss:$0x1], $0xffff;
	[tilespmem:v0+s19+$0x0 ss:$0x1] =	vst.idx.msk $0xffff, v3;
	(pc) =	sbr.rel @p0 .LBB1_3-.Ltmp3, $4  }
0x4e: {  	v2 =	vld.idx.msk [tilespmem:v1+s18+$0xFFFFFFC0 ss:$0x1], $0xffff;
	[tilespmem:v0+s19+$0x10 ss:$0x1] =	vst.idx.msk $0xffff, v5  }
0x4f: {  	v3 =	vld.idx.msk [tilespmem:v1+s18+$0xFFFFFFD0 ss:$0x1], $0xffff;
	[tilespmem:v0+s19+$0x20 ss:$0x1] =	vst.idx.msk $0xffff, v7;
	s19 =	smov.u32 s18  }
0x50: {  	v5 =	vld.idx.msk [tilespmem:v1+s19+$0xFFFFFFE0 ss:$0x1], $0xffff;
	[tilespmem:v0+s19+$0x30 ss:$0x1] =	vst.idx.msk $0xffff, v8  }
0x51: {  	s18 =	sshra.s32 s20, $0x2;
	s20 =	sadd.s32 $0x200, s20;
	[tilespmem:v0+s19+$0xFFFFFFC0 ss:$0x1] =	vst.idx.msk $0xffff, v9;
	v7 =	vld.idx.msk [tilespmem:v1+s19+$0xFFFFFFF0 ss:$0x1], $0xffff  }
.Ltmp4:
0x52: {  	_ = 	snop;
	(pc) =	sbr.rel .LBB1_4-.Ltmp4, $1  }
0x53: {  	_ =	sdelay $0x3  }
.LBB1_6:
0x54: {  	_ =	sfence.sel $0x180000  }
0x55: {  	s2 =	simm.s32 $0x1;
	[bflag:$0x0] =	sbarrier.arrive $0xFFFF  }
0x56: {  	s31 =	simm.s32 $0x2;
	[sflag:s2] =	ssyncpa.u1 $0x1  }
0x57: {  	[sflag:s31] =	ssyncpa.u1 $0x1  }
0x58: {  	p0 =	sne.s32 s0, $0x0;
	_ =	strace $0x9000004A  }
0x59: {  	s0 =	sadd.s32 @!p0 $0x100000, s1;
	[bflag:$0x2] =	sbarrier.arrive $0xFFFF  }
0x5a: {  	[sflag:s0] =	ssyncadd.tile.s32 @!p0 $0x1;
	_ =	shalt  }
.Lfunc_end1:
_tile_overlayer_lowered:
.L_overlay_start_2:
0x5b: {  	(tag) =	ssettag $0x2  }
0x5c: {  	s0 =	rddreg [dreg:$0x0];
	s2 =	stileid.u32  }
0x5d: {  	s1 =	rddreg [dreg:$0x1];
	p0 =	sne.s32 s2, $0x0  }
0x5e: {  	s3 =	rddreg [dreg:$0x2];
	[bflag:$0x3] =	sbarrier.arrive $0xFFFF;
	s2 =	simm.s32 @!p0 $0x1C01  }
0x5f: {  	[timem:s3], [sflag:s2] =	dma.local @!p0 [hbm:s0], s1  }
0x60: {  	s0 =	simm.s32 @!p0 $0x1  }
0x61: {  	_ =	swait.ge @!p0 [sflag:s0], s1  }
0x62: {  	s1 =	ssub.s32 @!p0 $0x0, s1;
	[sflag:s0] =	ssyncset.done @!p0 $0x0  }
0x63: {  	[sflag:s0] =	ssyncadd.s32 @!p0 s1  }
0x64: {  	[bflag:$0x3] =	sbarrier.arrive $0xFFFF  }
0x65: {  	_ =	shalt  }

</sc_bundles>
